<compile_context>
chip_gen: v7x
topology: tpu7x:2x2x1
jax: 0.10.2.dev20260603
libtpu: 0.0.44.dev20260713+nightly
codegen_flags: <defaults>
</compile_context>

<pallas_src>
import functools

import jax
import jax.numpy as jnp
from jax import lax
from jax.experimental import pallas as pl
from jax.experimental.pallas import tpu as pltpu
from jax.experimental.pallas import tpu_sc as plsc

_VOCAB = 100000
_EMBED_DIM = 16
_BATCH = 1024
_VT = 2048
_VTA = 8192


@functools.cache
def _make_sc_gather():
    info = plsc.get_sparse_core_info()
    nw = info.num_cores * info.num_subcores
    b_per_w = _BATCH // nw
    mesh = plsc.VectorSubcoreMesh(core_axis_name="c", subcore_axis_name="s")

    @functools.partial(
        pl.kernel,
        mesh=mesh,
        out_type=jax.ShapeDtypeStruct((_EMBED_DIM + 1, _BATCH), jnp.float32),
        scratch_types=[
            pltpu.VMEM((_EMBED_DIM, b_per_w), jnp.int32),
            pltpu.VMEM((_EMBED_DIM + 1, b_per_w), jnp.float32),
            pltpu.SemaphoreType.DMA,
        ],
        compiler_params=pltpu.CompilerParams(use_tc_tiling_on_sc=False),
    )
    def gather_kernel(table_hbm, offs_hbm, out_hbm, offs_v, rows_v, sem):
        wid = lax.axis_index("s") * info.num_cores + lax.axis_index("c")
        base = wid * b_per_w
        pltpu.sync_copy(offs_hbm.at[:, pl.ds(base, b_per_w)], offs_v)
        copies = [
            pltpu.async_copy(table_hbm.at[offs_v.at[d]], rows_v.at[d], sem)
            for d in range(_EMBED_DIM)
        ]
        for h in range(b_per_w // 16):
            rows_v[_EMBED_DIM, pl.ds(h * 16, 16)] = jnp.full(
                (16,), 1.0, jnp.float32)
        for c in copies:
            c.wait()
        pltpu.sync_copy(rows_v, out_hbm.at[:, pl.ds(base, b_per_w)])

    return gather_kernel


_KA = _EMBED_DIM + 1


def _tn_dot(wta, xta, precision=None):
    return jax.lax.dot_general(
        wta, xta, (((0,), (0,)), ((), ())),
        precision=precision,
        preferred_element_type=jnp.float32)


def _lse_body(wta_ref, xta_ref, lse_ref, s_acc):
    j = pl.program_id(0)
    lt = _tn_dot(wta_ref[...], xta_ref[...],
                 precision=jax.lax.Precision.DEFAULT)
    vids = jax.lax.broadcasted_iota(jnp.int32, (_VTA, 1), 0) + j * _VTA
    lt = jnp.where(vids < _VOCAB, lt, jnp.float32(-1e30))
    ssum = jnp.sum(jnp.exp(lt), axis=0, keepdims=True)

    @pl.when(j == 0)
    def _init():
        s_acc[...] = ssum

    @pl.when(j > 0)
    def _accum():
        s_acc[...] += ssum

    @pl.when(j == pl.num_programs(0) - 1)
    def _final():
        lse_ref[...] = jnp.log(s_acc[...])


def _out_body(wta_ref, xta_ref, lse_ref, out_ref):
    lt = _tn_dot(wta_ref[...], xta_ref[...])
    out_ref[...] = lt - lse_ref[...]


def kernel(inputs, emb_table, W, b):
    idx = inputs.astype(jnp.int32)
    table_lin = emb_table.T.reshape(-1)
    offs = (jnp.arange(_EMBED_DIM, dtype=jnp.int32) * _VOCAB)[:, None] + idx[None, :]
    xta = _make_sc_gather()(table_lin, offs)
    wta = jnp.concatenate([W.T, b.reshape(1, _VOCAB)], axis=0)
    xt_spec = pl.BlockSpec((_KA, _BATCH), lambda j: (0, 0))
    lse_spec = pl.BlockSpec((1, _BATCH), lambda j: (0, 0))
    lse = pl.pallas_call(
        _lse_body,
        grid=(pl.cdiv(_VOCAB, _VTA),),
        in_specs=[pl.BlockSpec((_KA, _VTA), lambda j: (0, j)), xt_spec],
        out_specs=lse_spec,
        out_shape=jax.ShapeDtypeStruct((1, _BATCH), jnp.float32),
        scratch_shapes=[pltpu.VMEM((1, _BATCH), jnp.float32)],
    )(wta, xta)
    out_t = pl.pallas_call(
        _out_body,
        grid=(pl.cdiv(_VOCAB, _VT),),
        in_specs=[pl.BlockSpec((_KA, _VT), lambda j: (0, j)), xt_spec,
                  lse_spec],
        out_specs=pl.BlockSpec((_VT, _BATCH), lambda j: (j, 0)),
        out_shape=jax.ShapeDtypeStruct((_VOCAB, _BATCH), jnp.float32),
    )(wta, xta, lse)
    return out_t.T

# --- scband reference (transcript-rebuilt; emitter-appended) ---
"""Pipeline reference for scband-skip-gram-7584912245291 (READ-ONLY COPY).

The authoritative reference and input builder live on the scoring server;
editing this copy changes nothing except your own understanding.
"""

import jax, jax.numpy as jnp
import numpy as np

VOCAB = 100000
EMBED_DIM = 16
BATCH = 1024


def setup_inputs(seed: int = 0) -> dict:
    key = jax.random.key(seed)
    k1, k2, k3 = jax.random.split(key, 3)
    inputs = jax.random.randint(k1, (BATCH,), 0, VOCAB, dtype=jnp.int64 if jax.config.jax_enable_x64 else jnp.int32)
    emb_table = jax.random.normal(k2, (VOCAB, EMBED_DIM), dtype=jnp.float32) * 0.02
    W = jax.random.normal(k3, (VOCAB, EMBED_DIM), dtype=jnp.float32) * 0.02
    b = jnp.zeros((VOCAB,), dtype=jnp.float32)
    return {"inputs": inputs, "emb_table": emb_table, "W": W, "b": b}


def reference(inputs, emb_table, W, b):
    # nn.Embedding: gather rows of the table
    out = jnp.take(emb_table, inputs, axis=0)          # [B, D]
    # nn.Linear(embedding_dim, vocab_size): x @ W.T + b (torch weight layout [out, in])
    logits = out @ W.T + b                              # [B, V]
    # nn.LogSoftmax(dim=-1)
    return jax.nn.log_softmax(logits, axis=-1)

if __name__ == "__main__":
    import jax
    _d = setup_inputs()
    print(jax.jit(kernel)(*tuple(_d.values())))

</pallas_src>

<mosaic_0001>
#map = affine_map<(d0, d1) -> (0)>
#map1 = affine_map<(d0, d1) -> (0, 0)>
module attributes {stable_mosaic.version = 14 : i64} {
  func.func @gather_kernel(%arg0: i32, %arg1: i32, %arg2: memref<1600000xf32, #tpu.memory_space<hbm>>, %arg3: memref<16x1024xi32, #tpu.memory_space<hbm>>, %arg4: memref<17x1024xf32, #tpu.memory_space<hbm>>, %arg5: memref<16x32xi32, #tpu.memory_space<vmem>>, %arg6: memref<17x32xf32, #tpu.memory_space<vmem>>, %arg7: memref<!tpu.dma_semaphore, #tpu.memory_space<semaphore_mem>>) attributes {dimension_semantics = [#tpu.dimension_semantics<core_parallel>, #tpu.dimension_semantics<subcore_parallel>], iteration_bounds = array<i64: 2, 16>, scalar_prefetch = 0 : i64, scratch_operands = 3 : i64, tpu.core_type = #tpu.core_type<sc_vector_subcore>, window_params = [{transform_indices = #map}, {transform_indices = #map1}, {transform_indices = #map1}]} {
    %mul3A = arith.constant 2 : i32
    %mul3A_0 = arith.muli %arg1, %mul3A : i32
    %add3A = arith.addi %mul3A_0, %arg0 : i32
    %mul3A_1 = arith.constant 32 : i32
    %mul3A_2 = arith.muli %add3A, %mul3A_1 : i32
    "tpu.region"() ({
      %run_scoped3A = tpu.sem_alloc : memref<!tpu.dma_semaphore, #tpu.memory_space<semaphore_mem>>
      %dma_start3A_335 = arith.constant 0 : i32
      %dma_start3A_336 = tpu.memref_slice %arg3[%dma_start3A_335, %mul3A_2] : memref<16x1024xi32, #tpu.memory_space<hbm>> -> memref<16x32xi32, #tpu.memory_space<hbm>>
      %dma_start3A_337 = arith.constant 0 : i32
      %dma_start3A_338 = tpu.memref_slice %arg3[%dma_start3A_337, %mul3A_2] : memref<16x1024xi32, #tpu.memory_space<hbm>> -> memref<16x32xi32, #tpu.memory_space<hbm>>
      tpu.enqueue_dma source(%dma_start3A_338 : memref<16x32xi32, #tpu.memory_space<hbm>>) target(%arg5 : memref<16x32xi32, #tpu.memory_space<vmem>>) target_semaphore(%run_scoped3A : memref<!tpu.dma_semaphore, #tpu.memory_space<semaphore_mem>>)
      %dma_wait3A_339 = arith.constant 0 : i32
      %dma_wait3A_340 = tpu.memref_slice %arg3[%dma_wait3A_339, %mul3A_2] : memref<16x1024xi32, #tpu.memory_space<hbm>> -> memref<16x32xi32, #tpu.memory_space<hbm>>
      %dma_wait3A_341 = arith.constant 0 : i32
      %dma_wait3A_342 = tpu.memref_slice %arg3[%dma_wait3A_341, %mul3A_2] : memref<16x1024xi32, #tpu.memory_space<hbm>> -> memref<16x32xi32, #tpu.memory_space<hbm>>
      tpu.wait_dma2 semaphore(%run_scoped3A : memref<!tpu.dma_semaphore, #tpu.memory_space<semaphore_mem>>) src(%dma_wait3A_342 : memref<16x32xi32, #tpu.memory_space<hbm>>) dst(%arg5 : memref<16x32xi32, #tpu.memory_space<vmem>>)
      tpu.yield
    }) : () -> ()
    %dma_start3A = arith.constant 0 : i32
    %dma_start3A_3 = arith.constant 0 : i32
    %dma_start3A_4 = arith.constant 0 : i32
    %dma_start3A_5 = tpu.memref_slice %arg6[%dma_start3A_3, %dma_start3A_4] : memref<17x32xf32, #tpu.memory_space<vmem>> -> memref<1x32xf32, #tpu.memory_space<vmem>>
    %dma_start3A_6 = tpu.memref_squeeze %dma_start3A_5 : memref<1x32xf32, #tpu.memory_space<vmem>> -> memref<32xf32, #tpu.memory_space<vmem>>
    %dma_start3A_7 = arith.constant 0 : i32
    %dma_start3A_8 = tpu.memref_slice %arg5[%dma_start3A, %dma_start3A_7] : memref<16x32xi32, #tpu.memory_space<vmem>> -> memref<1x32xi32, #tpu.memory_space<vmem>>
    %dma_start3A_9 = tpu.memref_squeeze %dma_start3A_8 : memref<1x32xi32, #tpu.memory_space<vmem>> -> memref<32xi32, #tpu.memory_space<vmem>>
    %dma_start3A_10 = arith.constant 0 : i32
    %dma_start3A_11 = tpu.memref_slice %arg2[%dma_start3A_10] : memref<1600000xf32, #tpu.memory_space<hbm>> -> memref<1600000xf32, #tpu.memory_space<hbm>>
    tpu.enqueue_indirect_dma source(%dma_start3A_11 : memref<1600000xf32, #tpu.memory_space<hbm>>) target(%dma_start3A_6 : memref<32xf32, #tpu.memory_space<vmem>>) offsets(%dma_start3A_9 : memref<32xi32, #tpu.memory_space<vmem>>) semaphore(%arg7 : memref<!tpu.dma_semaphore, #tpu.memory_space<semaphore_mem>>)
    %dma_start3A_12 = arith.constant 1 : i32
    %dma_start3A_13 = arith.constant 1 : i32
    %dma_start3A_14 = arith.constant 0 : i32
    %dma_start3A_15 = tpu.memref_slice %arg6[%dma_start3A_13, %dma_start3A_14] : memref<17x32xf32, #tpu.memory_space<vmem>> -> memref<1x32xf32, #tpu.memory_space<vmem>>
    %dma_start3A_16 = tpu.memref_squeeze %dma_start3A_15 : memref<1x32xf32, #tpu.memory_space<vmem>> -> memref<32xf32, #tpu.memory_space<vmem>>
    %dma_start3A_17 = arith.constant 0 : i32
    %dma_start3A_18 = tpu.memref_slice %arg5[%dma_start3A_12, %dma_start3A_17] : memref<16x32xi32, #tpu.memory_space<vmem>> -> memref<1x32xi32, #tpu.memory_space<vmem>>
    %dma_start3A_19 = tpu.memref_squeeze %dma_start3A_18 : memref<1x32xi32, #tpu.memory_space<vmem>> -> memref<32xi32, #tpu.memory_space<vmem>>
    %dma_start3A_20 = arith.constant 0 : i32
    %dma_start3A_21 = tpu.memref_slice %arg2[%dma_start3A_20] : memref<1600000xf32, #tpu.memory_space<hbm>> -> memref<1600000xf32, #tpu.memory_space<hbm>>
    tpu.enqueue_indirect_dma source(%dma_start3A_21 : memref<1600000xf32, #tpu.memory_space<hbm>>) target(%dma_start3A_16 : memref<32xf32, #tpu.memory_space<vmem>>) offsets(%dma_start3A_19 : memref<32xi32, #tpu.memory_space<vmem>>) semaphore(%arg7 : memref<!tpu.dma_semaphore, #tpu.memory_space<semaphore_mem>>)
    %dma_start3A_22 = arith.constant 2 : i32
    %dma_start3A_23 = arith.constant 2 : i32
    %dma_start3A_24 = arith.constant 0 : i32
    %dma_start3A_25 = tpu.memref_slice %arg6[%dma_start3A_23, %dma_start3A_24] : memref<17x32xf32, #tpu.memory_space<vmem>> -> memref<1x32xf32, #tpu.memory_space<vmem>>
    %dma_start3A_26 = tpu.memref_squeeze %dma_start3A_25 : memref<1x32xf32, #tpu.memory_space<vmem>> -> memref<32xf32, #tpu.memory_space<vmem>>
    %dma_start3A_27 = arith.constant 0 : i32
    %dma_start3A_28 = tpu.memref_slice %arg5[%dma_start3A_22, %dma_start3A_27] : memref<16x32xi32, #tpu.memory_space<vmem>> -> memref<1x32xi32, #tpu.memory_space<vmem>>
    %dma_start3A_29 = tpu.memref_squeeze %dma_start3A_28 : memref<1x32xi32, #tpu.memory_space<vmem>> -> memref<32xi32, #tpu.memory_space<vmem>>
    %dma_start3A_30 = arith.constant 0 : i32
    %dma_start3A_31 = tpu.memref_slice %arg2[%dma_start3A_30] : memref<1600000xf32, #tpu.memory_space<hbm>> -> memref<1600000xf32, #tpu.memory_space<hbm>>
    tpu.enqueue_indirect_dma source(%dma_start3A_31 : memref<1600000xf32, #tpu.memory_space<hbm>>) target(%dma_start3A_26 : memref<32xf32, #tpu.memory_space<vmem>>) offsets(%dma_start3A_29 : memref<32xi32, #tpu.memory_space<vmem>>) semaphore(%arg7 : memref<!tpu.dma_semaphore, #tpu.memory_space<semaphore_mem>>)
    %dma_start3A_32 = arith.constant 3 : i32
    %dma_start3A_33 = arith.constant 3 : i32
    %dma_start3A_34 = arith.constant 0 : i32
    %dma_start3A_35 = tpu.memref_slice %arg6[%dma_start3A_33, %dma_start3A_34] : memref<17x32xf32, #tpu.memory_space<vmem>> -> memref<1x32xf32, #tpu.memory_space<vmem>>
    %dma_start3A_36 = tpu.memref_squeeze %dma_start3A_35 : memref<1x32xf32, #tpu.memory_space<vmem>> -> memref<32xf32, #tpu.memory_space<vmem>>
    %dma_start3A_37 = arith.constant 0 : i32
    %dma_start3A_38 = tpu.memref_slice %arg5[%dma_start3A_32, %dma_start3A_37] : memref<16x32xi32, #tpu.memory_space<vmem>> -> memref<1x32xi32, #tpu.memory_space<vmem>>
    %dma_start3A_39 = tpu.memref_squeeze %dma_start3A_38 : memref<1x32xi32, #tpu.memory_space<vmem>> -> memref<32xi32, #tpu.memory_space<vmem>>
    %dma_start3A_40 = arith.constant 0 : i32
    %dma_start3A_41 = tpu.memref_slice %arg2[%dma_start3A_40] : memref<1600000xf32, #tpu.memory_space<hbm>> -> memref<1600000xf32, #tpu.memory_space<hbm>>
    tpu.enqueue_indirect_dma source(%dma_start3A_41 : memref<1600000xf32, #tpu.memory_space<hbm>>) target(%dma_start3A_36 : memref<32xf32, #tpu.memory_space<vmem>>) offsets(%dma_start3A_39 : memref<32xi32, #tpu.memory_space<vmem>>) semaphore(%arg7 : memref<!tpu.dma_semaphore, #tpu.memory_space<semaphore_mem>>)
    %dma_start3A_42 = arith.constant 4 : i32
    %dma_start3A_43 = arith.constant 4 : i32
    %dma_start3A_44 = arith.constant 0 : i32
    %dma_start3A_45 = tpu.memref_slice %arg6[%dma_start3A_43, %dma_start3A_44] : memref<17x32xf32, #tpu.memory_space<vmem>> -> memref<1x32xf32, #tpu.memory_space<vmem>>
    %dma_start3A_46 = tpu.memref_squeeze %dma_start3A_45 : memref<1x32xf32, #tpu.memory_space<vmem>> -> memref<32xf32, #tpu.memory_space<vmem>>
    %dma_start3A_47 = arith.constant 0 : i32
    %dma_start3A_48 = tpu.memref_slice %arg5[%dma_start3A_42, %dma_start3A_47] : memref<16x32xi32, #tpu.memory_space<vmem>> -> memref<1x32xi32, #tpu.memory_space<vmem>>
    %dma_start3A_49 = tpu.memref_squeeze %dma_start3A_48 : memref<1x32xi32, #tpu.memory_space<vmem>> -> memref<32xi32, #tpu.memory_space<vmem>>
    %dma_start3A_50 = arith.constant 0 : i32
    %dma_start3A_51 = tpu.memref_slice %arg2[%dma_start3A_50] : memref<1600000xf32, #tpu.memory_space<hbm>> -> memref<1600000xf32, #tpu.memory_space<hbm>>
    tpu.enqueue_indirect_dma source(%dma_start3A_51 : memref<1600000xf32, #tpu.memory_space<hbm>>) target(%dma_start3A_46 : memref<32xf32, #tpu.memory_space<vmem>>) offsets(%dma_start3A_49 : memref<32xi32, #tpu.memory_space<vmem>>) semaphore(%arg7 : memref<!tpu.dma_semaphore, #tpu.memory_space<semaphore_mem>>)
    %dma_start3A_52 = arith.constant 5 : i32
    %dma_start3A_53 = arith.constant 5 : i32
    %dma_start3A_54 = arith.constant 0 : i32
    %dma_start3A_55 = tpu.memref_slice %arg6[%dma_start3A_53, %dma_start3A_54] : memref<17x32xf32, #tpu.memory_space<vmem>> -> memref<1x32xf32, #tpu.memory_space<vmem>>
    %dma_start3A_56 = tpu.memref_squeeze %dma_start3A_55 : memref<1x32xf32, #tpu.memory_space<vmem>> -> memref<32xf32, #tpu.memory_space<vmem>>
    %dma_start3A_57 = arith.constant 0 : i32
    %dma_start3A_58 = tpu.memref_slice %arg5[%dma_start3A_52, %dma_start3A_57] : memref<16x32xi32, #tpu.memory_space<vmem>> -> memref<1x32xi32, #tpu.memory_space<vmem>>
    %dma_start3A_59 = tpu.memref_squeeze %dma_start3A_58 : memref<1x32xi32, #tpu.memory_space<vmem>> -> memref<32xi32, #tpu.memory_space<vmem>>
    %dma_start3A_60 = arith.constant 0 : i32
    %dma_start3A_61 = tpu.memref_slice %arg2[%dma_start3A_60] : memref<1600000xf32, #tpu.memory_space<hbm>> -> memref<1600000xf32, #tpu.memory_space<hbm>>
    tpu.enqueue_indirect_dma source(%dma_start3A_61 : memref<1600000xf32, #tpu.memory_space<hbm>>) target(%dma_start3A_56 : memref<32xf32, #tpu.memory_space<vmem>>) offsets(%dma_start3A_59 : memref<32xi32, #tpu.memory_space<vmem>>) semaphore(%arg7 : memref<!tpu.dma_semaphore, #tpu.memory_space<semaphore_mem>>)
    %dma_start3A_62 = arith.constant 6 : i32
    %dma_start3A_63 = arith.constant 6 : i32
    %dma_start3A_64 = arith.constant 0 : i32
    %dma_start3A_65 = tpu.memref_slice %arg6[%dma_start3A_63, %dma_start3A_64] : memref<17x32xf32, #tpu.memory_space<vmem>> -> memref<1x32xf32, #tpu.memory_space<vmem>>
    %dma_start3A_66 = tpu.memref_squeeze %dma_start3A_65 : memref<1x32xf32, #tpu.memory_space<vmem>> -> memref<32xf32, #tpu.memory_space<vmem>>
    %dma_start3A_67 = arith.constant 0 : i32
    %dma_start3A_68 = tpu.memref_slice %arg5[%dma_start3A_62, %dma_start3A_67] : memref<16x32xi32, #tpu.memory_space<vmem>> -> memref<1x32xi32, #tpu.memory_space<vmem>>
    %dma_start3A_69 = tpu.memref_squeeze %dma_start3A_68 : memref<1x32xi32, #tpu.memory_space<vmem>> -> memref<32xi32, #tpu.memory_space<vmem>>
    %dma_start3A_70 = arith.constant 0 : i32
    %dma_start3A_71 = tpu.memref_slice %arg2[%dma_start3A_70] : memref<1600000xf32, #tpu.memory_space<hbm>> -> memref<1600000xf32, #tpu.memory_space<hbm>>
    tpu.enqueue_indirect_dma source(%dma_start3A_71 : memref<1600000xf32, #tpu.memory_space<hbm>>) target(%dma_start3A_66 : memref<32xf32, #tpu.memory_space<vmem>>) offsets(%dma_start3A_69 : memref<32xi32, #tpu.memory_space<vmem>>) semaphore(%arg7 : memref<!tpu.dma_semaphore, #tpu.memory_space<semaphore_mem>>)
    %dma_start3A_72 = arith.constant 7 : i32
    %dma_start3A_73 = arith.constant 7 : i32
    %dma_start3A_74 = arith.constant 0 : i32
    %dma_start3A_75 = tpu.memref_slice %arg6[%dma_start3A_73, %dma_start3A_74] : memref<17x32xf32, #tpu.memory_space<vmem>> -> memref<1x32xf32, #tpu.memory_space<vmem>>
    %dma_start3A_76 = tpu.memref_squeeze %dma_start3A_75 : memref<1x32xf32, #tpu.memory_space<vmem>> -> memref<32xf32, #tpu.memory_space<vmem>>
    %dma_start3A_77 = arith.constant 0 : i32
    %dma_start3A_78 = tpu.memref_slice %arg5[%dma_start3A_72, %dma_start3A_77] : memref<16x32xi32, #tpu.memory_space<vmem>> -> memref<1x32xi32, #tpu.memory_space<vmem>>
    %dma_start3A_79 = tpu.memref_squeeze %dma_start3A_78 : memref<1x32xi32, #tpu.memory_space<vmem>> -> memref<32xi32, #tpu.memory_space<vmem>>
    %dma_start3A_80 = arith.constant 0 : i32
    %dma_start3A_81 = tpu.memref_slice %arg2[%dma_start3A_80] : memref<1600000xf32, #tpu.memory_space<hbm>> -> memref<1600000xf32, #tpu.memory_space<hbm>>
    tpu.enqueue_indirect_dma source(%dma_start3A_81 : memref<1600000xf32, #tpu.memory_space<hbm>>) target(%dma_start3A_76 : memref<32xf32, #tpu.memory_space<vmem>>) offsets(%dma_start3A_79 : memref<32xi32, #tpu.memory_space<vmem>>) semaphore(%arg7 : memref<!tpu.dma_semaphore, #tpu.memory_space<semaphore_mem>>)
    %dma_start3A_82 = arith.constant 8 : i32
    %dma_start3A_83 = arith.constant 8 : i32
    %dma_start3A_84 = arith.constant 0 : i32
    %dma_start3A_85 = tpu.memref_slice %arg6[%dma_start3A_83, %dma_start3A_84] : memref<17x32xf32, #tpu.memory_space<vmem>> -> memref<1x32xf32, #tpu.memory_space<vmem>>
    %dma_start3A_86 = tpu.memref_squeeze %dma_start3A_85 : memref<1x32xf32, #tpu.memory_space<vmem>> -> memref<32xf32, #tpu.memory_space<vmem>>
    %dma_start3A_87 = arith.constant 0 : i32
    %dma_start3A_88 = tpu.memref_slice %arg5[%dma_start3A_82, %dma_start3A_87] : memref<16x32xi32, #tpu.memory_space<vmem>> -> memref<1x32xi32, #tpu.memory_space<vmem>>
    %dma_start3A_89 = tpu.memref_squeeze %dma_start3A_88 : memref<1x32xi32, #tpu.memory_space<vmem>> -> memref<32xi32, #tpu.memory_space<vmem>>
    %dma_start3A_90 = arith.constant 0 : i32
    %dma_start3A_91 = tpu.memref_slice %arg2[%dma_start3A_90] : memref<1600000xf32, #tpu.memory_space<hbm>> -> memref<1600000xf32, #tpu.memory_space<hbm>>
    tpu.enqueue_indirect_dma source(%dma_start3A_91 : memref<1600000xf32, #tpu.memory_space<hbm>>) target(%dma_start3A_86 : memref<32xf32, #tpu.memory_space<vmem>>) offsets(%dma_start3A_89 : memref<32xi32, #tpu.memory_space<vmem>>) semaphore(%arg7 : memref<!tpu.dma_semaphore, #tpu.memory_space<semaphore_mem>>)
    %dma_start3A_92 = arith.constant 9 : i32
    %dma_start3A_93 = arith.constant 9 : i32
    %dma_start3A_94 = arith.constant 0 : i32
    %dma_start3A_95 = tpu.memref_slice %arg6[%dma_start3A_93, %dma_start3A_94] : memref<17x32xf32, #tpu.memory_space<vmem>> -> memref<1x32xf32, #tpu.memory_space<vmem>>
    %dma_start3A_96 = tpu.memref_squeeze %dma_start3A_95 : memref<1x32xf32, #tpu.memory_space<vmem>> -> memref<32xf32, #tpu.memory_space<vmem>>
    %dma_start3A_97 = arith.constant 0 : i32
    %dma_start3A_98 = tpu.memref_slice %arg5[%dma_start3A_92, %dma_start3A_97] : memref<16x32xi32, #tpu.memory_space<vmem>> -> memref<1x32xi32, #tpu.memory_space<vmem>>
    %dma_start3A_99 = tpu.memref_squeeze %dma_start3A_98 : memref<1x32xi32, #tpu.memory_space<vmem>> -> memref<32xi32, #tpu.memory_space<vmem>>
    %dma_start3A_100 = arith.constant 0 : i32
    %dma_start3A_101 = tpu.memref_slice %arg2[%dma_start3A_100] : memref<1600000xf32, #tpu.memory_space<hbm>> -> memref<1600000xf32, #tpu.memory_space<hbm>>
    tpu.enqueue_indirect_dma source(%dma_start3A_101 : memref<1600000xf32, #tpu.memory_space<hbm>>) target(%dma_start3A_96 : memref<32xf32, #tpu.memory_space<vmem>>) offsets(%dma_start3A_99 : memref<32xi32, #tpu.memory_space<vmem>>) semaphore(%arg7 : memref<!tpu.dma_semaphore, #tpu.memory_space<semaphore_mem>>)
    %dma_start3A_102 = arith.constant 10 : i32
    %dma_start3A_103 = arith.constant 10 : i32
    %dma_start3A_104 = arith.constant 0 : i32
    %dma_start3A_105 = tpu.memref_slice %arg6[%dma_start3A_103, %dma_start3A_104] : memref<17x32xf32, #tpu.memory_space<vmem>> -> memref<1x32xf32, #tpu.memory_space<vmem>>
    %dma_start3A_106 = tpu.memref_squeeze %dma_start3A_105 : memref<1x32xf32, #tpu.memory_space<vmem>> -> memref<32xf32, #tpu.memory_space<vmem>>
    %dma_start3A_107 = arith.constant 0 : i32
    %dma_start3A_108 = tpu.memref_slice %arg5[%dma_start3A_102, %dma_start3A_107] : memref<16x32xi32, #tpu.memory_space<vmem>> -> memref<1x32xi32, #tpu.memory_space<vmem>>
    %dma_start3A_109 = tpu.memref_squeeze %dma_start3A_108 : memref<1x32xi32, #tpu.memory_space<vmem>> -> memref<32xi32, #tpu.memory_space<vmem>>
    %dma_start3A_110 = arith.constant 0 : i32
    %dma_start3A_111 = tpu.memref_slice %arg2[%dma_start3A_110] : memref<1600000xf32, #tpu.memory_space<hbm>> -> memref<1600000xf32, #tpu.memory_space<hbm>>
    tpu.enqueue_indirect_dma source(%dma_start3A_111 : memref<1600000xf32, #tpu.memory_space<hbm>>) target(%dma_start3A_106 : memref<32xf32, #tpu.memory_space<vmem>>) offsets(%dma_start3A_109 : memref<32xi32, #tpu.memory_space<vmem>>) semaphore(%arg7 : memref<!tpu.dma_semaphore, #tpu.memory_space<semaphore_mem>>)
    %dma_start3A_112 = arith.constant 11 : i32
    %dma_start3A_113 = arith.constant 11 : i32
    %dma_start3A_114 = arith.constant 0 : i32
    %dma_start3A_115 = tpu.memref_slice %arg6[%dma_start3A_113, %dma_start3A_114] : memref<17x32xf32, #tpu.memory_space<vmem>> -> memref<1x32xf32, #tpu.memory_space<vmem>>
    %dma_start3A_116 = tpu.memref_squeeze %dma_start3A_115 : memref<1x32xf32, #tpu.memory_space<vmem>> -> memref<32xf32, #tpu.memory_space<vmem>>
    %dma_start3A_117 = arith.constant 0 : i32
    %dma_start3A_118 = tpu.memref_slice %arg5[%dma_start3A_112, %dma_start3A_117] : memref<16x32xi32, #tpu.memory_space<vmem>> -> memref<1x32xi32, #tpu.memory_space<vmem>>
    %dma_start3A_119 = tpu.memref_squeeze %dma_start3A_118 : memref<1x32xi32, #tpu.memory_space<vmem>> -> memref<32xi32, #tpu.memory_space<vmem>>
    %dma_start3A_120 = arith.constant 0 : i32
    %dma_start3A_121 = tpu.memref_slice %arg2[%dma_start3A_120] : memref<1600000xf32, #tpu.memory_space<hbm>> -> memref<1600000xf32, #tpu.memory_space<hbm>>
    tpu.enqueue_indirect_dma source(%dma_start3A_121 : memref<1600000xf32, #tpu.memory_space<hbm>>) target(%dma_start3A_116 : memref<32xf32, #tpu.memory_space<vmem>>) offsets(%dma_start3A_119 : memref<32xi32, #tpu.memory_space<vmem>>) semaphore(%arg7 : memref<!tpu.dma_semaphore, #tpu.memory_space<semaphore_mem>>)
    %dma_start3A_122 = arith.constant 12 : i32
    %dma_start3A_123 = arith.constant 12 : i32
    %dma_start3A_124 = arith.constant 0 : i32
    %dma_start3A_125 = tpu.memref_slice %arg6[%dma_start3A_123, %dma_start3A_124] : memref<17x32xf32, #tpu.memory_space<vmem>> -> memref<1x32xf32, #tpu.memory_space<vmem>>
    %dma_start3A_126 = tpu.memref_squeeze %dma_start3A_125 : memref<1x32xf32, #tpu.memory_space<vmem>> -> memref<32xf32, #tpu.memory_space<vmem>>
    %dma_start3A_127 = arith.constant 0 : i32
    %dma_start3A_128 = tpu.memref_slice %arg5[%dma_start3A_122, %dma_start3A_127] : memref<16x32xi32, #tpu.memory_space<vmem>> -> memref<1x32xi32, #tpu.memory_space<vmem>>
    %dma_start3A_129 = tpu.memref_squeeze %dma_start3A_128 : memref<1x32xi32, #tpu.memory_space<vmem>> -> memref<32xi32, #tpu.memory_space<vmem>>
    %dma_start3A_130 = arith.constant 0 : i32
    %dma_start3A_131 = tpu.memref_slice %arg2[%dma_start3A_130] : memref<1600000xf32, #tpu.memory_space<hbm>> -> memref<1600000xf32, #tpu.memory_space<hbm>>
    tpu.enqueue_indirect_dma source(%dma_start3A_131 : memref<1600000xf32, #tpu.memory_space<hbm>>) target(%dma_start3A_126 : memref<32xf32, #tpu.memory_space<vmem>>) offsets(%dma_start3A_129 : memref<32xi32, #tpu.memory_space<vmem>>) semaphore(%arg7 : memref<!tpu.dma_semaphore, #tpu.memory_space<semaphore_mem>>)
    %dma_start3A_132 = arith.constant 13 : i32
    %dma_start3A_133 = arith.constant 13 : i32
    %dma_start3A_134 = arith.constant 0 : i32
    %dma_start3A_135 = tpu.memref_slice %arg6[%dma_start3A_133, %dma_start3A_134] : memref<17x32xf32, #tpu.memory_space<vmem>> -> memref<1x32xf32, #tpu.memory_space<vmem>>
    %dma_start3A_136 = tpu.memref_squeeze %dma_start3A_135 : memref<1x32xf32, #tpu.memory_space<vmem>> -> memref<32xf32, #tpu.memory_space<vmem>>
    %dma_start3A_137 = arith.constant 0 : i32
    %dma_start3A_138 = tpu.memref_slice %arg5[%dma_start3A_132, %dma_start3A_137] : memref<16x32xi32, #tpu.memory_space<vmem>> -> memref<1x32xi32, #tpu.memory_space<vmem>>
    %dma_start3A_139 = tpu.memref_squeeze %dma_start3A_138 : memref<1x32xi32, #tpu.memory_space<vmem>> -> memref<32xi32, #tpu.memory_space<vmem>>
    %dma_start3A_140 = arith.constant 0 : i32
    %dma_start3A_141 = tpu.memref_slice %arg2[%dma_start3A_140] : memref<1600000xf32, #tpu.memory_space<hbm>> -> memref<1600000xf32, #tpu.memory_space<hbm>>
    tpu.enqueue_indirect_dma source(%dma_start3A_141 : memref<1600000xf32, #tpu.memory_space<hbm>>) target(%dma_start3A_136 : memref<32xf32, #tpu.memory_space<vmem>>) offsets(%dma_start3A_139 : memref<32xi32, #tpu.memory_space<vmem>>) semaphore(%arg7 : memref<!tpu.dma_semaphore, #tpu.memory_space<semaphore_mem>>)
    %dma_start3A_142 = arith.constant 14 : i32
    %dma_start3A_143 = arith.constant 14 : i32
    %dma_start3A_144 = arith.constant 0 : i32
    %dma_start3A_145 = tpu.memref_slice %arg6[%dma_start3A_143, %dma_start3A_144] : memref<17x32xf32, #tpu.memory_space<vmem>> -> memref<1x32xf32, #tpu.memory_space<vmem>>
    %dma_start3A_146 = tpu.memref_squeeze %dma_start3A_145 : memref<1x32xf32, #tpu.memory_space<vmem>> -> memref<32xf32, #tpu.memory_space<vmem>>
    %dma_start3A_147 = arith.constant 0 : i32
    %dma_start3A_148 = tpu.memref_slice %arg5[%dma_start3A_142, %dma_start3A_147] : memref<16x32xi32, #tpu.memory_space<vmem>> -> memref<1x32xi32, #tpu.memory_space<vmem>>
    %dma_start3A_149 = tpu.memref_squeeze %dma_start3A_148 : memref<1x32xi32, #tpu.memory_space<vmem>> -> memref<32xi32, #tpu.memory_space<vmem>>
    %dma_start3A_150 = arith.constant 0 : i32
    %dma_start3A_151 = tpu.memref_slice %arg2[%dma_start3A_150] : memref<1600000xf32, #tpu.memory_space<hbm>> -> memref<1600000xf32, #tpu.memory_space<hbm>>
    tpu.enqueue_indirect_dma source(%dma_start3A_151 : memref<1600000xf32, #tpu.memory_space<hbm>>) target(%dma_start3A_146 : memref<32xf32, #tpu.memory_space<vmem>>) offsets(%dma_start3A_149 : memref<32xi32, #tpu.memory_space<vmem>>) semaphore(%arg7 : memref<!tpu.dma_semaphore, #tpu.memory_space<semaphore_mem>>)
    %dma_start3A_152 = arith.constant 15 : i32
    %dma_start3A_153 = arith.constant 15 : i32
    %dma_start3A_154 = arith.constant 0 : i32
    %dma_start3A_155 = tpu.memref_slice %arg6[%dma_start3A_153, %dma_start3A_154] : memref<17x32xf32, #tpu.memory_space<vmem>> -> memref<1x32xf32, #tpu.memory_space<vmem>>
    %dma_start3A_156 = tpu.memref_squeeze %dma_start3A_155 : memref<1x32xf32, #tpu.memory_space<vmem>> -> memref<32xf32, #tpu.memory_space<vmem>>
    %dma_start3A_157 = arith.constant 0 : i32
    %dma_start3A_158 = tpu.memref_slice %arg5[%dma_start3A_152, %dma_start3A_157] : memref<16x32xi32, #tpu.memory_space<vmem>> -> memref<1x32xi32, #tpu.memory_space<vmem>>
    %dma_start3A_159 = tpu.memref_squeeze %dma_start3A_158 : memref<1x32xi32, #tpu.memory_space<vmem>> -> memref<32xi32, #tpu.memory_space<vmem>>
    %dma_start3A_160 = arith.constant 0 : i32
    %dma_start3A_161 = tpu.memref_slice %arg2[%dma_start3A_160] : memref<1600000xf32, #tpu.memory_space<hbm>> -> memref<1600000xf32, #tpu.memory_space<hbm>>
    tpu.enqueue_indirect_dma source(%dma_start3A_161 : memref<1600000xf32, #tpu.memory_space<hbm>>) target(%dma_start3A_156 : memref<32xf32, #tpu.memory_space<vmem>>) offsets(%dma_start3A_159 : memref<32xi32, #tpu.memory_space<vmem>>) semaphore(%arg7 : memref<!tpu.dma_semaphore, #tpu.memory_space<semaphore_mem>>)
    %broadcast_in_dim3A = arith.constant 1.000000e+00 : f32
    %broadcast_in_dim3A_162 = vector.broadcast %broadcast_in_dim3A : f32 to vector<16xf32>
    %swap3A = arith.constant 16 : i32
    %swap3A_163 = arith.index_cast %swap3A : i32 to index
    %swap3A_164 = arith.constant 0 : index
    %swap3A_165 = tpu.vector_load %arg6[%swap3A_163, %swap3A_164] {strides = array<i32>} : memref<17x32xf32, #tpu.memory_space<vmem>>, vector<1x16xf32>,
    %swap3A_166 = vector.shape_cast %swap3A_165 : vector<1x16xf32> to vector<16xf32>
    %swap3A_167 = vector.shape_cast %broadcast_in_dim3A_162 : vector<16xf32> to vector<1x16xf32>
    tpu.vector_store %arg6[%swap3A_163, %swap3A_164], %swap3A_167 {strides = array<i32>} : memref<17x32xf32, #tpu.memory_space<vmem>>, vector<1x16xf32>,
    %broadcast_in_dim3A_168 = arith.constant 1.000000e+00 : f32
    %broadcast_in_dim3A_169 = vector.broadcast %broadcast_in_dim3A_168 : f32 to vector<16xf32>
    %swap3A_170 = arith.constant 16 : i32
    %swap3A_171 = arith.index_cast %swap3A_170 : i32 to index
    %swap3A_172 = arith.constant 16 : index
    %swap3A_173 = tpu.vector_load %arg6[%swap3A_171, %swap3A_172] {strides = array<i32>} : memref<17x32xf32, #tpu.memory_space<vmem>>, vector<1x16xf32>,
    %swap3A_174 = vector.shape_cast %swap3A_173 : vector<1x16xf32> to vector<16xf32>
    %swap3A_175 = vector.shape_cast %broadcast_in_dim3A_169 : vector<16xf32> to vector<1x16xf32>
    tpu.vector_store %arg6[%swap3A_171, %swap3A_172], %swap3A_175 {strides = array<i32>} : memref<17x32xf32, #tpu.memory_space<vmem>>, vector<1x16xf32>,
    %dma_wait3A = arith.constant 0 : i32
    %dma_wait3A_176 = arith.constant 0 : i32
    %dma_wait3A_177 = arith.constant 0 : i32
    %dma_wait3A_178 = tpu.memref_slice %arg6[%dma_wait3A_176, %dma_wait3A_177] : memref<17x32xf32, #tpu.memory_space<vmem>> -> memref<1x32xf32, #tpu.memory_space<vmem>>
    %dma_wait3A_179 = tpu.memref_squeeze %dma_wait3A_178 : memref<1x32xf32, #tpu.memory_space<vmem>> -> memref<32xf32, #tpu.memory_space<vmem>>
    %dma_wait3A_180 = arith.constant 0 : i32
    %dma_wait3A_181 = tpu.memref_slice %arg5[%dma_wait3A, %dma_wait3A_180] : memref<16x32xi32, #tpu.memory_space<vmem>> -> memref<1x32xi32, #tpu.memory_space<vmem>>
    %dma_wait3A_182 = tpu.memref_squeeze %dma_wait3A_181 : memref<1x32xi32, #tpu.memory_space<vmem>> -> memref<32xi32, #tpu.memory_space<vmem>>
    %dma_wait3A_183 = arith.constant 0 : i32
    %dma_wait3A_184 = tpu.memref_slice %arg2[%dma_wait3A_183] : memref<1600000xf32, #tpu.memory_space<hbm>> -> memref<1600000xf32, #tpu.memory_space<hbm>>
    tpu.wait_indirect_dma semaphore(%arg7 : memref<!tpu.dma_semaphore, #tpu.memory_space<semaphore_mem>>) src(%dma_wait3A_184 : memref<1600000xf32, #tpu.memory_space<hbm>>) dst(%dma_wait3A_179 : memref<32xf32, #tpu.memory_space<vmem>>)
    %dma_wait3A_185 = arith.constant 1 : i32
    %dma_wait3A_186 = arith.constant 1 : i32
    %dma_wait3A_187 = arith.constant 0 : i32
    %dma_wait3A_188 = tpu.memref_slice %arg6[%dma_wait3A_186, %dma_wait3A_187] : memref<17x32xf32, #tpu.memory_space<vmem>> -> memref<1x32xf32, #tpu.memory_space<vmem>>
    %dma_wait3A_189 = tpu.memref_squeeze %dma_wait3A_188 : memref<1x32xf32, #tpu.memory_space<vmem>> -> memref<32xf32, #tpu.memory_space<vmem>>
    %dma_wait3A_190 = arith.constant 0 : i32
    %dma_wait3A_191 = tpu.memref_slice %arg5[%dma_wait3A_185, %dma_wait3A_190] : memref<16x32xi32, #tpu.memory_space<vmem>> -> memref<1x32xi32, #tpu.memory_space<vmem>>
    %dma_wait3A_192 = tpu.memref_squeeze %dma_wait3A_191 : memref<1x32xi32, #tpu.memory_space<vmem>> -> memref<32xi32, #tpu.memory_space<vmem>>
    %dma_wait3A_193 = arith.constant 0 : i32
    %dma_wait3A_194 = tpu.memref_slice %arg2[%dma_wait3A_193] : memref<1600000xf32, #tpu.memory_space<hbm>> -> memref<1600000xf32, #tpu.memory_space<hbm>>
    tpu.wait_indirect_dma semaphore(%arg7 : memref<!tpu.dma_semaphore, #tpu.memory_space<semaphore_mem>>) src(%dma_wait3A_194 : memref<1600000xf32, #tpu.memory_space<hbm>>) dst(%dma_wait3A_189 : memref<32xf32, #tpu.memory_space<vmem>>)
    %dma_wait3A_195 = arith.constant 2 : i32
    %dma_wait3A_196 = arith.constant 2 : i32
    %dma_wait3A_197 = arith.constant 0 : i32
    %dma_wait3A_198 = tpu.memref_slice %arg6[%dma_wait3A_196, %dma_wait3A_197] : memref<17x32xf32, #tpu.memory_space<vmem>> -> memref<1x32xf32, #tpu.memory_space<vmem>>
    %dma_wait3A_199 = tpu.memref_squeeze %dma_wait3A_198 : memref<1x32xf32, #tpu.memory_space<vmem>> -> memref<32xf32, #tpu.memory_space<vmem>>
    %dma_wait3A_200 = arith.constant 0 : i32
    %dma_wait3A_201 = tpu.memref_slice %arg5[%dma_wait3A_195, %dma_wait3A_200] : memref<16x32xi32, #tpu.memory_space<vmem>> -> memref<1x32xi32, #tpu.memory_space<vmem>>
    %dma_wait3A_202 = tpu.memref_squeeze %dma_wait3A_201 : memref<1x32xi32, #tpu.memory_space<vmem>> -> memref<32xi32, #tpu.memory_space<vmem>>
    %dma_wait3A_203 = arith.constant 0 : i32
    %dma_wait3A_204 = tpu.memref_slice %arg2[%dma_wait3A_203] : memref<1600000xf32, #tpu.memory_space<hbm>> -> memref<1600000xf32, #tpu.memory_space<hbm>>
    tpu.wait_indirect_dma semaphore(%arg7 : memref<!tpu.dma_semaphore, #tpu.memory_space<semaphore_mem>>) src(%dma_wait3A_204 : memref<1600000xf32, #tpu.memory_space<hbm>>) dst(%dma_wait3A_199 : memref<32xf32, #tpu.memory_space<vmem>>)
    %dma_wait3A_205 = arith.constant 3 : i32
    %dma_wait3A_206 = arith.constant 3 : i32
    %dma_wait3A_207 = arith.constant 0 : i32
    %dma_wait3A_208 = tpu.memref_slice %arg6[%dma_wait3A_206, %dma_wait3A_207] : memref<17x32xf32, #tpu.memory_space<vmem>> -> memref<1x32xf32, #tpu.memory_space<vmem>>
    %dma_wait3A_209 = tpu.memref_squeeze %dma_wait3A_208 : memref<1x32xf32, #tpu.memory_space<vmem>> -> memref<32xf32, #tpu.memory_space<vmem>>
    %dma_wait3A_210 = arith.constant 0 : i32
    %dma_wait3A_211 = tpu.memref_slice %arg5[%dma_wait3A_205, %dma_wait3A_210] : memref<16x32xi32, #tpu.memory_space<vmem>> -> memref<1x32xi32, #tpu.memory_space<vmem>>
    %dma_wait3A_212 = tpu.memref_squeeze %dma_wait3A_211 : memref<1x32xi32, #tpu.memory_space<vmem>> -> memref<32xi32, #tpu.memory_space<vmem>>
    %dma_wait3A_213 = arith.constant 0 : i32
    %dma_wait3A_214 = tpu.memref_slice %arg2[%dma_wait3A_213] : memref<1600000xf32, #tpu.memory_space<hbm>> -> memref<1600000xf32, #tpu.memory_space<hbm>>
    tpu.wait_indirect_dma semaphore(%arg7 : memref<!tpu.dma_semaphore, #tpu.memory_space<semaphore_mem>>) src(%dma_wait3A_214 : memref<1600000xf32, #tpu.memory_space<hbm>>) dst(%dma_wait3A_209 : memref<32xf32, #tpu.memory_space<vmem>>)
    %dma_wait3A_215 = arith.constant 4 : i32
    %dma_wait3A_216 = arith.constant 4 : i32
    %dma_wait3A_217 = arith.constant 0 : i32
    %dma_wait3A_218 = tpu.memref_slice %arg6[%dma_wait3A_216, %dma_wait3A_217] : memref<17x32xf32, #tpu.memory_space<vmem>> -> memref<1x32xf32, #tpu.memory_space<vmem>>
    %dma_wait3A_219 = tpu.memref_squeeze %dma_wait3A_218 : memref<1x32xf32, #tpu.memory_space<vmem>> -> memref<32xf32, #tpu.memory_space<vmem>>
    %dma_wait3A_220 = arith.constant 0 : i32
    %dma_wait3A_221 = tpu.memref_slice %arg5[%dma_wait3A_215, %dma_wait3A_220] : memref<16x32xi32, #tpu.memory_space<vmem>> -> memref<1x32xi32, #tpu.memory_space<vmem>>
    %dma_wait3A_222 = tpu.memref_squeeze %dma_wait3A_221 : memref<1x32xi32, #tpu.memory_space<vmem>> -> memref<32xi32, #tpu.memory_space<vmem>>
    %dma_wait3A_223 = arith.constant 0 : i32
    %dma_wait3A_224 = tpu.memref_slice %arg2[%dma_wait3A_223] : memref<1600000xf32, #tpu.memory_space<hbm>> -> memref<1600000xf32, #tpu.memory_space<hbm>>
    tpu.wait_indirect_dma semaphore(%arg7 : memref<!tpu.dma_semaphore, #tpu.memory_space<semaphore_mem>>) src(%dma_wait3A_224 : memref<1600000xf32, #tpu.memory_space<hbm>>) dst(%dma_wait3A_219 : memref<32xf32, #tpu.memory_space<vmem>>)
    %dma_wait3A_225 = arith.constant 5 : i32
    %dma_wait3A_226 = arith.constant 5 : i32
    %dma_wait3A_227 = arith.constant 0 : i32
    %dma_wait3A_228 = tpu.memref_slice %arg6[%dma_wait3A_226, %dma_wait3A_227] : memref<17x32xf32, #tpu.memory_space<vmem>> -> memref<1x32xf32, #tpu.memory_space<vmem>>
    %dma_wait3A_229 = tpu.memref_squeeze %dma_wait3A_228 : memref<1x32xf32, #tpu.memory_space<vmem>> -> memref<32xf32, #tpu.memory_space<vmem>>
    %dma_wait3A_230 = arith.constant 0 : i32
    %dma_wait3A_231 = tpu.memref_slice %arg5[%dma_wait3A_225, %dma_wait3A_230] : memref<16x32xi32, #tpu.memory_space<vmem>> -> memref<1x32xi32, #tpu.memory_space<vmem>>
    %dma_wait3A_232 = tpu.memref_squeeze %dma_wait3A_231 : memref<1x32xi32, #tpu.memory_space<vmem>> -> memref<32xi32, #tpu.memory_space<vmem>>
    %dma_wait3A_233 = arith.constant 0 : i32
    %dma_wait3A_234 = tpu.memref_slice %arg2[%dma_wait3A_233] : memref<1600000xf32, #tpu.memory_space<hbm>> -> memref<1600000xf32, #tpu.memory_space<hbm>>
    tpu.wait_indirect_dma semaphore(%arg7 : memref<!tpu.dma_semaphore, #tpu.memory_space<semaphore_mem>>) src(%dma_wait3A_234 : memref<1600000xf32, #tpu.memory_space<hbm>>) dst(%dma_wait3A_229 : memref<32xf32, #tpu.memory_space<vmem>>)
    %dma_wait3A_235 = arith.constant 6 : i32
    %dma_wait3A_236 = arith.constant 6 : i32
    %dma_wait3A_237 = arith.constant 0 : i32
    %dma_wait3A_238 = tpu.memref_slice %arg6[%dma_wait3A_236, %dma_wait3A_237] : memref<17x32xf32, #tpu.memory_space<vmem>> -> memref<1x32xf32, #tpu.memory_space<vmem>>
    %dma_wait3A_239 = tpu.memref_squeeze %dma_wait3A_238 : memref<1x32xf32, #tpu.memory_space<vmem>> -> memref<32xf32, #tpu.memory_space<vmem>>
    %dma_wait3A_240 = arith.constant 0 : i32
    %dma_wait3A_241 = tpu.memref_slice %arg5[%dma_wait3A_235, %dma_wait3A_240] : memref<16x32xi32, #tpu.memory_space<vmem>> -> memref<1x32xi32, #tpu.memory_space<vmem>>
    %dma_wait3A_242 = tpu.memref_squeeze %dma_wait3A_241 : memref<1x32xi32, #tpu.memory_space<vmem>> -> memref<32xi32, #tpu.memory_space<vmem>>
    %dma_wait3A_243 = arith.constant 0 : i32
    %dma_wait3A_244 = tpu.memref_slice %arg2[%dma_wait3A_243] : memref<1600000xf32, #tpu.memory_space<hbm>> -> memref<1600000xf32, #tpu.memory_space<hbm>>
    tpu.wait_indirect_dma semaphore(%arg7 : memref<!tpu.dma_semaphore, #tpu.memory_space<semaphore_mem>>) src(%dma_wait3A_244 : memref<1600000xf32, #tpu.memory_space<hbm>>) dst(%dma_wait3A_239 : memref<32xf32, #tpu.memory_space<vmem>>)
    %dma_wait3A_245 = arith.constant 7 : i32
    %dma_wait3A_246 = arith.constant 7 : i32
    %dma_wait3A_247 = arith.constant 0 : i32
    %dma_wait3A_248 = tpu.memref_slice %arg6[%dma_wait3A_246, %dma_wait3A_247] : memref<17x32xf32, #tpu.memory_space<vmem>> -> memref<1x32xf32, #tpu.memory_space<vmem>>
    %dma_wait3A_249 = tpu.memref_squeeze %dma_wait3A_248 : memref<1x32xf32, #tpu.memory_space<vmem>> -> memref<32xf32, #tpu.memory_space<vmem>>
    %dma_wait3A_250 = arith.constant 0 : i32
    %dma_wait3A_251 = tpu.memref_slice %arg5[%dma_wait3A_245, %dma_wait3A_250] : memref<16x32xi32, #tpu.memory_space<vmem>> -> memref<1x32xi32, #tpu.memory_space<vmem>>
    %dma_wait3A_252 = tpu.memref_squeeze %dma_wait3A_251 : memref<1x32xi32, #tpu.memory_space<vmem>> -> memref<32xi32, #tpu.memory_space<vmem>>
    %dma_wait3A_253 = arith.constant 0 : i32
    %dma_wait3A_254 = tpu.memref_slice %arg2[%dma_wait3A_253] : memref<1600000xf32, #tpu.memory_space<hbm>> -> memref<1600000xf32, #tpu.memory_space<hbm>>
    tpu.wait_indirect_dma semaphore(%arg7 : memref<!tpu.dma_semaphore, #tpu.memory_space<semaphore_mem>>) src(%dma_wait3A_254 : memref<1600000xf32, #tpu.memory_space<hbm>>) dst(%dma_wait3A_249 : memref<32xf32, #tpu.memory_space<vmem>>)
    %dma_wait3A_255 = arith.constant 8 : i32
    %dma_wait3A_256 = arith.constant 8 : i32
    %dma_wait3A_257 = arith.constant 0 : i32
    %dma_wait3A_258 = tpu.memref_slice %arg6[%dma_wait3A_256, %dma_wait3A_257] : memref<17x32xf32, #tpu.memory_space<vmem>> -> memref<1x32xf32, #tpu.memory_space<vmem>>
    %dma_wait3A_259 = tpu.memref_squeeze %dma_wait3A_258 : memref<1x32xf32, #tpu.memory_space<vmem>> -> memref<32xf32, #tpu.memory_space<vmem>>
    %dma_wait3A_260 = arith.constant 0 : i32
    %dma_wait3A_261 = tpu.memref_slice %arg5[%dma_wait3A_255, %dma_wait3A_260] : memref<16x32xi32, #tpu.memory_space<vmem>> -> memref<1x32xi32, #tpu.memory_space<vmem>>
    %dma_wait3A_262 = tpu.memref_squeeze %dma_wait3A_261 : memref<1x32xi32, #tpu.memory_space<vmem>> -> memref<32xi32, #tpu.memory_space<vmem>>
    %dma_wait3A_263 = arith.constant 0 : i32
    %dma_wait3A_264 = tpu.memref_slice %arg2[%dma_wait3A_263] : memref<1600000xf32, #tpu.memory_space<hbm>> -> memref<1600000xf32, #tpu.memory_space<hbm>>
    tpu.wait_indirect_dma semaphore(%arg7 : memref<!tpu.dma_semaphore, #tpu.memory_space<semaphore_mem>>) src(%dma_wait3A_264 : memref<1600000xf32, #tpu.memory_space<hbm>>) dst(%dma_wait3A_259 : memref<32xf32, #tpu.memory_space<vmem>>)
    %dma_wait3A_265 = arith.constant 9 : i32
    %dma_wait3A_266 = arith.constant 9 : i32
    %dma_wait3A_267 = arith.constant 0 : i32
    %dma_wait3A_268 = tpu.memref_slice %arg6[%dma_wait3A_266, %dma_wait3A_267] : memref<17x32xf32, #tpu.memory_space<vmem>> -> memref<1x32xf32, #tpu.memory_space<vmem>>
    %dma_wait3A_269 = tpu.memref_squeeze %dma_wait3A_268 : memref<1x32xf32, #tpu.memory_space<vmem>> -> memref<32xf32, #tpu.memory_space<vmem>>
    %dma_wait3A_270 = arith.constant 0 : i32
    %dma_wait3A_271 = tpu.memref_slice %arg5[%dma_wait3A_265, %dma_wait3A_270] : memref<16x32xi32, #tpu.memory_space<vmem>> -> memref<1x32xi32, #tpu.memory_space<vmem>>
    %dma_wait3A_272 = tpu.memref_squeeze %dma_wait3A_271 : memref<1x32xi32, #tpu.memory_space<vmem>> -> memref<32xi32, #tpu.memory_space<vmem>>
    %dma_wait3A_273 = arith.constant 0 : i32
    %dma_wait3A_274 = tpu.memref_slice %arg2[%dma_wait3A_273] : memref<1600000xf32, #tpu.memory_space<hbm>> -> memref<1600000xf32, #tpu.memory_space<hbm>>
    tpu.wait_indirect_dma semaphore(%arg7 : memref<!tpu.dma_semaphore, #tpu.memory_space<semaphore_mem>>) src(%dma_wait3A_274 : memref<1600000xf32, #tpu.memory_space<hbm>>) dst(%dma_wait3A_269 : memref<32xf32, #tpu.memory_space<vmem>>)
    %dma_wait3A_275 = arith.constant 10 : i32
    %dma_wait3A_276 = arith.constant 10 : i32
    %dma_wait3A_277 = arith.constant 0 : i32
    %dma_wait3A_278 = tpu.memref_slice %arg6[%dma_wait3A_276, %dma_wait3A_277] : memref<17x32xf32, #tpu.memory_space<vmem>> -> memref<1x32xf32, #tpu.memory_space<vmem>>
    %dma_wait3A_279 = tpu.memref_squeeze %dma_wait3A_278 : memref<1x32xf32, #tpu.memory_space<vmem>> -> memref<32xf32, #tpu.memory_space<vmem>>
    %dma_wait3A_280 = arith.constant 0 : i32
    %dma_wait3A_281 = tpu.memref_slice %arg5[%dma_wait3A_275, %dma_wait3A_280] : memref<16x32xi32, #tpu.memory_space<vmem>> -> memref<1x32xi32, #tpu.memory_space<vmem>>
    %dma_wait3A_282 = tpu.memref_squeeze %dma_wait3A_281 : memref<1x32xi32, #tpu.memory_space<vmem>> -> memref<32xi32, #tpu.memory_space<vmem>>
    %dma_wait3A_283 = arith.constant 0 : i32
    %dma_wait3A_284 = tpu.memref_slice %arg2[%dma_wait3A_283] : memref<1600000xf32, #tpu.memory_space<hbm>> -> memref<1600000xf32, #tpu.memory_space<hbm>>
    tpu.wait_indirect_dma semaphore(%arg7 : memref<!tpu.dma_semaphore, #tpu.memory_space<semaphore_mem>>) src(%dma_wait3A_284 : memref<1600000xf32, #tpu.memory_space<hbm>>) dst(%dma_wait3A_279 : memref<32xf32, #tpu.memory_space<vmem>>)
    %dma_wait3A_285 = arith.constant 11 : i32
    %dma_wait3A_286 = arith.constant 11 : i32
    %dma_wait3A_287 = arith.constant 0 : i32
    %dma_wait3A_288 = tpu.memref_slice %arg6[%dma_wait3A_286, %dma_wait3A_287] : memref<17x32xf32, #tpu.memory_space<vmem>> -> memref<1x32xf32, #tpu.memory_space<vmem>>
    %dma_wait3A_289 = tpu.memref_squeeze %dma_wait3A_288 : memref<1x32xf32, #tpu.memory_space<vmem>> -> memref<32xf32, #tpu.memory_space<vmem>>
    %dma_wait3A_290 = arith.constant 0 : i32
    %dma_wait3A_291 = tpu.memref_slice %arg5[%dma_wait3A_285, %dma_wait3A_290] : memref<16x32xi32, #tpu.memory_space<vmem>> -> memref<1x32xi32, #tpu.memory_space<vmem>>
    %dma_wait3A_292 = tpu.memref_squeeze %dma_wait3A_291 : memref<1x32xi32, #tpu.memory_space<vmem>> -> memref<32xi32, #tpu.memory_space<vmem>>
    %dma_wait3A_293 = arith.constant 0 : i32
    %dma_wait3A_294 = tpu.memref_slice %arg2[%dma_wait3A_293] : memref<1600000xf32, #tpu.memory_space<hbm>> -> memref<1600000xf32, #tpu.memory_space<hbm>>
    tpu.wait_indirect_dma semaphore(%arg7 : memref<!tpu.dma_semaphore, #tpu.memory_space<semaphore_mem>>) src(%dma_wait3A_294 : memref<1600000xf32, #tpu.memory_space<hbm>>) dst(%dma_wait3A_289 : memref<32xf32, #tpu.memory_space<vmem>>)
    %dma_wait3A_295 = arith.constant 12 : i32
    %dma_wait3A_296 = arith.constant 12 : i32
    %dma_wait3A_297 = arith.constant 0 : i32
    %dma_wait3A_298 = tpu.memref_slice %arg6[%dma_wait3A_296, %dma_wait3A_297] : memref<17x32xf32, #tpu.memory_space<vmem>> -> memref<1x32xf32, #tpu.memory_space<vmem>>
    %dma_wait3A_299 = tpu.memref_squeeze %dma_wait3A_298 : memref<1x32xf32, #tpu.memory_space<vmem>> -> memref<32xf32, #tpu.memory_space<vmem>>
    %dma_wait3A_300 = arith.constant 0 : i32
    %dma_wait3A_301 = tpu.memref_slice %arg5[%dma_wait3A_295, %dma_wait3A_300] : memref<16x32xi32, #tpu.memory_space<vmem>> -> memref<1x32xi32, #tpu.memory_space<vmem>>
    %dma_wait3A_302 = tpu.memref_squeeze %dma_wait3A_301 : memref<1x32xi32, #tpu.memory_space<vmem>> -> memref<32xi32, #tpu.memory_space<vmem>>
    %dma_wait3A_303 = arith.constant 0 : i32
    %dma_wait3A_304 = tpu.memref_slice %arg2[%dma_wait3A_303] : memref<1600000xf32, #tpu.memory_space<hbm>> -> memref<1600000xf32, #tpu.memory_space<hbm>>
    tpu.wait_indirect_dma semaphore(%arg7 : memref<!tpu.dma_semaphore, #tpu.memory_space<semaphore_mem>>) src(%dma_wait3A_304 : memref<1600000xf32, #tpu.memory_space<hbm>>) dst(%dma_wait3A_299 : memref<32xf32, #tpu.memory_space<vmem>>)
    %dma_wait3A_305 = arith.constant 13 : i32
    %dma_wait3A_306 = arith.constant 13 : i32
    %dma_wait3A_307 = arith.constant 0 : i32
    %dma_wait3A_308 = tpu.memref_slice %arg6[%dma_wait3A_306, %dma_wait3A_307] : memref<17x32xf32, #tpu.memory_space<vmem>> -> memref<1x32xf32, #tpu.memory_space<vmem>>
    %dma_wait3A_309 = tpu.memref_squeeze %dma_wait3A_308 : memref<1x32xf32, #tpu.memory_space<vmem>> -> memref<32xf32, #tpu.memory_space<vmem>>
    %dma_wait3A_310 = arith.constant 0 : i32
    %dma_wait3A_311 = tpu.memref_slice %arg5[%dma_wait3A_305, %dma_wait3A_310] : memref<16x32xi32, #tpu.memory_space<vmem>> -> memref<1x32xi32, #tpu.memory_space<vmem>>
    %dma_wait3A_312 = tpu.memref_squeeze %dma_wait3A_311 : memref<1x32xi32, #tpu.memory_space<vmem>> -> memref<32xi32, #tpu.memory_space<vmem>>
    %dma_wait3A_313 = arith.constant 0 : i32
    %dma_wait3A_314 = tpu.memref_slice %arg2[%dma_wait3A_313] : memref<1600000xf32, #tpu.memory_space<hbm>> -> memref<1600000xf32, #tpu.memory_space<hbm>>
    tpu.wait_indirect_dma semaphore(%arg7 : memref<!tpu.dma_semaphore, #tpu.memory_space<semaphore_mem>>) src(%dma_wait3A_314 : memref<1600000xf32, #tpu.memory_space<hbm>>) dst(%dma_wait3A_309 : memref<32xf32, #tpu.memory_space<vmem>>)
    %dma_wait3A_315 = arith.constant 14 : i32
    %dma_wait3A_316 = arith.constant 14 : i32
    %dma_wait3A_317 = arith.constant 0 : i32
    %dma_wait3A_318 = tpu.memref_slice %arg6[%dma_wait3A_316, %dma_wait3A_317] : memref<17x32xf32, #tpu.memory_space<vmem>> -> memref<1x32xf32, #tpu.memory_space<vmem>>
    %dma_wait3A_319 = tpu.memref_squeeze %dma_wait3A_318 : memref<1x32xf32, #tpu.memory_space<vmem>> -> memref<32xf32, #tpu.memory_space<vmem>>
    %dma_wait3A_320 = arith.constant 0 : i32
    %dma_wait3A_321 = tpu.memref_slice %arg5[%dma_wait3A_315, %dma_wait3A_320] : memref<16x32xi32, #tpu.memory_space<vmem>> -> memref<1x32xi32, #tpu.memory_space<vmem>>
    %dma_wait3A_322 = tpu.memref_squeeze %dma_wait3A_321 : memref<1x32xi32, #tpu.memory_space<vmem>> -> memref<32xi32, #tpu.memory_space<vmem>>
    %dma_wait3A_323 = arith.constant 0 : i32
    %dma_wait3A_324 = tpu.memref_slice %arg2[%dma_wait3A_323] : memref<1600000xf32, #tpu.memory_space<hbm>> -> memref<1600000xf32, #tpu.memory_space<hbm>>
    tpu.wait_indirect_dma semaphore(%arg7 : memref<!tpu.dma_semaphore, #tpu.memory_space<semaphore_mem>>) src(%dma_wait3A_324 : memref<1600000xf32, #tpu.memory_space<hbm>>) dst(%dma_wait3A_319 : memref<32xf32, #tpu.memory_space<vmem>>)
    %dma_wait3A_325 = arith.constant 15 : i32
    %dma_wait3A_326 = arith.constant 15 : i32
    %dma_wait3A_327 = arith.constant 0 : i32
    %dma_wait3A_328 = tpu.memref_slice %arg6[%dma_wait3A_326, %dma_wait3A_327] : memref<17x32xf32, #tpu.memory_space<vmem>> -> memref<1x32xf32, #tpu.memory_space<vmem>>
    %dma_wait3A_329 = tpu.memref_squeeze %dma_wait3A_328 : memref<1x32xf32, #tpu.memory_space<vmem>> -> memref<32xf32, #tpu.memory_space<vmem>>
    %dma_wait3A_330 = arith.constant 0 : i32
    %dma_wait3A_331 = tpu.memref_slice %arg5[%dma_wait3A_325, %dma_wait3A_330] : memref<16x32xi32, #tpu.memory_space<vmem>> -> memref<1x32xi32, #tpu.memory_space<vmem>>
    %dma_wait3A_332 = tpu.memref_squeeze %dma_wait3A_331 : memref<1x32xi32, #tpu.memory_space<vmem>> -> memref<32xi32, #tpu.memory_space<vmem>>
    %dma_wait3A_333 = arith.constant 0 : i32
    %dma_wait3A_334 = tpu.memref_slice %arg2[%dma_wait3A_333] : memref<1600000xf32, #tpu.memory_space<hbm>> -> memref<1600000xf32, #tpu.memory_space<hbm>>
    tpu.wait_indirect_dma semaphore(%arg7 : memref<!tpu.dma_semaphore, #tpu.memory_space<semaphore_mem>>) src(%dma_wait3A_334 : memref<1600000xf32, #tpu.memory_space<hbm>>) dst(%dma_wait3A_329 : memref<32xf32, #tpu.memory_space<vmem>>)
    "tpu.region"() ({
      %run_scoped3A = tpu.sem_alloc : memref<!tpu.dma_semaphore, #tpu.memory_space<semaphore_mem>>
      %dma_start3A_335 = arith.constant 0 : i32
      %dma_start3A_336 = tpu.memref_slice %arg4[%dma_start3A_335, %mul3A_2] : memref<17x1024xf32, #tpu.memory_space<hbm>> -> memref<17x32xf32, #tpu.memory_space<hbm>>
      %dma_start3A_337 = arith.constant 0 : i32
      %dma_start3A_338 = tpu.memref_slice %arg4[%dma_start3A_337, %mul3A_2] : memref<17x1024xf32, #tpu.memory_space<hbm>> -> memref<17x32xf32, #tpu.memory_space<hbm>>
      tpu.enqueue_dma source(%arg6 : memref<17x32xf32, #tpu.memory_space<vmem>>) target(%dma_start3A_338 : memref<17x32xf32, #tpu.memory_space<hbm>>) target_semaphore(%run_scoped3A : memref<!tpu.dma_semaphore, #tpu.memory_space<semaphore_mem>>)
      %dma_wait3A_339 = arith.constant 0 : i32
      %dma_wait3A_340 = tpu.memref_slice %arg4[%dma_wait3A_339, %mul3A_2] : memref<17x1024xf32, #tpu.memory_space<hbm>> -> memref<17x32xf32, #tpu.memory_space<hbm>>
      %dma_wait3A_341 = arith.constant 0 : i32
      %dma_wait3A_342 = tpu.memref_slice %arg4[%dma_wait3A_341, %mul3A_2] : memref<17x1024xf32, #tpu.memory_space<hbm>> -> memref<17x32xf32, #tpu.memory_space<hbm>>
      tpu.wait_dma2 semaphore(%run_scoped3A : memref<!tpu.dma_semaphore, #tpu.memory_space<semaphore_mem>>) src(%arg6 : memref<17x32xf32, #tpu.memory_space<vmem>>) dst(%dma_wait3A_342 : memref<17x32xf32, #tpu.memory_space<hbm>>)
      tpu.yield
    }) : () -> ()
    return
  }
}

module attributes {stable_mosaic.version = 14 : i64} {
  func.func @_lse_body(%arg0: i32, %arg1: memref<17x8192xf32, #tpu.memory_space<vmem>>, %arg2: memref<17x1024xf32, #tpu.memory_space<vmem>>, %arg3: memref<1x1024xf32, #tpu.memory_space<vmem>>, %arg4: memref<1x1024xf32, #tpu.memory_space<vmem>>) attributes {dimension_semantics = [#tpu.dimension_semantics<arbitrary>], iteration_bounds = array<i64: 13>, scalar_prefetch = 0 : i64, scratch_operands = 1 : i64, tpu.core_type = #tpu.core_type<tc>, window_params = [{transform_indices = @transform_0, window_bounds = array<i64: 17, 8192>}, {pipeline_mode = #tpu.pipeline_mode<synchronous>, transform_indices = @transform_1, window_bounds = array<i64: 17, 1024>}, {pipeline_mode = #tpu.pipeline_mode<synchronous>, transform_indices = @transform_2, window_bounds = array<i64: 1, 1024>}]} {
    %get3A = arith.constant 0 : index
    %get3A_0 = arith.constant 0 : index
    %get3A_1 = vector.load %arg1[%get3A, %get3A_0] : memref<17x8192xf32, #tpu.memory_space<vmem>>, vector<17x8192xf32>
    %get3A_2 = arith.constant 0 : index
    %get3A_3 = arith.constant 0 : index
    %get3A_4 = vector.load %arg2[%get3A_2, %get3A_3] : memref<17x1024xf32, #tpu.memory_space<vmem>>, vector<17x1024xf32>
    %dot_general3A = arith.constant dense<0.000000e+00> : vector<8192x1024xf32>
    %dot_general3A_5 = tpu.matmul %get3A_1, %get3A_4, %dot_general3A {dimension_numbers = #tpu.dot_dimension_numbers<[0], [0], [1], [1], [0, 1, 1, 1], [], []>, transpose_lhs_hint = false} : vector<17x8192xf32>, vector<17x1024xf32>, vector<8192x1024xf32> -> vector<8192x1024xf32>
    %iota3A = tpu.iota {dimensions = array<i32: 0>} : vector<8192x1xi32>
    %mul3A = arith.constant 8192 : i32
    %mul3A_6 = arith.muli %arg0, %mul3A : i32
    %add3A = vector.broadcast %mul3A_6 : i32 to vector<8192x1xi32>
    %add3A_7 = arith.addi %iota3A, %add3A : vector<8192x1xi32>
    %lt3A = arith.constant 100000 : i32
    %lt3A_8 = vector.broadcast %lt3A : i32 to vector<8192x1xi32>
    %lt3A_9 = arith.cmpi slt, %add3A_7, %lt3A_8 : vector<8192x1xi32>
    %jit3A = arith.constant -1.000000e+30 : f32
    %broadcast_in_dim3A = vector.shape_cast %lt3A_9 : vector<8192x1xi1> to vector<8192x1xi1>
    %broadcast_in_dim3A_10 = vector.broadcast %broadcast_in_dim3A : vector<8192x1xi1> to vector<8192x1024xi1>
    %broadcast_in_dim3A_11 = vector.broadcast %jit3A : f32 to vector<8192x1024xf32>
    %select_n3A = arith.select %broadcast_in_dim3A_10, %dot_general3A_5, %broadcast_in_dim3A_11 : vector<8192x1024xi1>, vector<8192x1024xf32>
    %exp3A = math.exp %select_n3A : vector<8192x1024xf32>
    %reduce_sum3A = arith.constant dense<0.000000e+00> : vector<1024xf32>
    %reduce_sum3A_12 = vector.multi_reduction <add>, %exp3A, %reduce_sum3A [0] : vector<8192x1024xf32> to vector<1024xf32>
    %broadcast_in_dim3A_13 = vector.shape_cast %reduce_sum3A_12 : vector<1024xf32> to vector<1x1024xf32>
    %eq3A = arith.constant 0 : i32
    %eq3A_14 = arith.cmpi eq, %arg0, %eq3A : i32
    %convert_element_type3A = arith.extui %eq3A_14 : i1 to i32
    %cond3A = arith.constant 0 : i32
    %cond3A_15 = arith.cmpi ne, %convert_element_type3A, %cond3A : i32
    scf.if %cond3A_15 {
      %swap3A = arith.constant 0 : index
      %swap3A_25 = arith.constant 0 : index
      %swap3A_26 = vector.load %arg4[%swap3A, %swap3A_25] : memref<1x1024xf32, #tpu.memory_space<vmem>>, vector<1x1024xf32>
      tpu.vector_store %arg4[%swap3A, %swap3A_25], %broadcast_in_dim3A_13 {strides = array<i32>} : memref<1x1024xf32, #tpu.memory_space<vmem>>, vector<1x1024xf32>,
    } else {
    }
    %gt3A = arith.constant 0 : i32
    %gt3A_16 = arith.cmpi sgt, %arg0, %gt3A : i32
    %convert_element_type3A_17 = arith.extui %gt3A_16 : i1 to i32
    %cond3A_18 = arith.constant 0 : i32
    %cond3A_19 = arith.cmpi ne, %convert_element_type3A_17, %cond3A_18 : i32
    scf.if %cond3A_19 {
      %get3A_25 = arith.constant 0 : index
      %get3A_26 = arith.constant 0 : index
      %get3A_27 = vector.load %arg4[%get3A_25, %get3A_26] : memref<1x1024xf32, #tpu.memory_space<vmem>>, vector<1x1024xf32>
      %add3A_28 = arith.addf %get3A_27, %broadcast_in_dim3A_13 : vector<1x1024xf32>
      %swap3A = arith.constant 0 : index
      %swap3A_29 = arith.constant 0 : index
      %swap3A_30 = vector.load %arg4[%swap3A, %swap3A_29] : memref<1x1024xf32, #tpu.memory_space<vmem>>, vector<1x1024xf32>
      tpu.vector_store %arg4[%swap3A, %swap3A_29], %add3A_28 {strides = array<i32>} : memref<1x1024xf32, #tpu.memory_space<vmem>>, vector<1x1024xf32>,
    } else {
    }
    %eq3A_20 = arith.constant 12 : i32
    %eq3A_21 = arith.cmpi eq, %arg0, %eq3A_20 : i32
    %convert_element_type3A_22 = arith.extui %eq3A_21 : i1 to i32
    %cond3A_23 = arith.constant 0 : i32
    %cond3A_24 = arith.cmpi ne, %convert_element_type3A_22, %cond3A_23 : i32
    scf.if %cond3A_24 {
      %get3A_25 = arith.constant 0 : index
      %get3A_26 = arith.constant 0 : index
      %get3A_27 = vector.load %arg4[%get3A_25, %get3A_26] : memref<1x1024xf32, #tpu.memory_space<vmem>>, vector<1x1024xf32>
      %log3A = math.log %get3A_27 : vector<1x1024xf32>
      %swap3A = arith.constant 0 : index
      %swap3A_28 = arith.constant 0 : index
      %swap3A_29 = vector.load %arg3[%swap3A, %swap3A_28] : memref<1x1024xf32, #tpu.memory_space<vmem>>, vector<1x1024xf32>
      tpu.vector_store %arg3[%swap3A, %swap3A_28], %log3A {strides = array<i32>} : memref<1x1024xf32, #tpu.memory_space<vmem>>, vector<1x1024xf32>,
    } else {
    }
    return
  }
  func.func @transform_0(%arg0: i32) -> (i32, i32) {
    %c0_i32 = arith.constant 0 : i32
    %c0_i32_0 = arith.constant 0 : i32
    return %c0_i32, %arg0 : i32, i32
  }
  func.func @transform_1(%arg0: i32) -> (i32, i32) {
    %c0_i32 = arith.constant 0 : i32
    %c0_i32_0 = arith.constant 0 : i32
    %c0_i32_1 = arith.constant 0 : i32
    return %c0_i32, %c0_i32_0 : i32, i32
  }
  func.func @transform_2(%arg0: i32) -> (i32, i32) {
    %c0_i32 = arith.constant 0 : i32
    %c0_i32_0 = arith.constant 0 : i32
    %c0_i32_1 = arith.constant 0 : i32
    return %c0_i32, %c0_i32_0 : i32, i32
  }
}

module attributes {stable_mosaic.version = 14 : i64} {
  func.func @_out_body(%arg0: i32, %arg1: memref<17x2048xf32, #tpu.memory_space<vmem>>, %arg2: memref<17x1024xf32, #tpu.memory_space<vmem>>, %arg3: memref<1x1024xf32, #tpu.memory_space<vmem>>, %arg4: memref<2048x1024xf32, #tpu.memory_space<vmem>>) attributes {dimension_semantics = [#tpu.dimension_semantics<arbitrary>], iteration_bounds = array<i64: 49>, scalar_prefetch = 0 : i64, scratch_operands = 0 : i64, tpu.core_type = #tpu.core_type<tc>, window_params = [{transform_indices = @transform_0, window_bounds = array<i64: 17, 2048>}, {pipeline_mode = #tpu.pipeline_mode<synchronous>, transform_indices = @transform_1, window_bounds = array<i64: 17, 1024>}, {pipeline_mode = #tpu.pipeline_mode<synchronous>, transform_indices = @transform_2, window_bounds = array<i64: 1, 1024>}, {transform_indices = @transform_3, window_bounds = array<i64: 2048, 1024>}]} {
    %get3A = arith.constant 0 : index
    %get3A_0 = arith.constant 0 : index
    %get3A_1 = vector.load %arg1[%get3A, %get3A_0] : memref<17x2048xf32, #tpu.memory_space<vmem>>, vector<17x2048xf32>
    %get3A_2 = arith.constant 0 : index
    %get3A_3 = arith.constant 0 : index
    %get3A_4 = vector.load %arg2[%get3A_2, %get3A_3] : memref<17x1024xf32, #tpu.memory_space<vmem>>, vector<17x1024xf32>
    %dot_general3A = arith.constant dense<0.000000e+00> : vector<2048x1024xf32>
    %dot_general3A_5 = tpu.matmul %get3A_1, %get3A_4, %dot_general3A {dimension_numbers = #tpu.dot_dimension_numbers<[0], [0], [1], [1], [0, 1, 1, 1], [], []>, transpose_lhs_hint = false} : vector<17x2048xf32>, vector<17x1024xf32>, vector<2048x1024xf32> -> vector<2048x1024xf32>
    %get3A_6 = arith.constant 0 : index
    %get3A_7 = arith.constant 0 : index
    %get3A_8 = vector.load %arg3[%get3A_6, %get3A_7] : memref<1x1024xf32, #tpu.memory_space<vmem>>, vector<1x1024xf32>
    %sub3A = vector.broadcast %get3A_8 : vector<1x1024xf32> to vector<2048x1024xf32>
    %sub3A_9 = arith.subf %dot_general3A_5, %sub3A : vector<2048x1024xf32>
    %swap3A = arith.constant 0 : index
    %swap3A_10 = arith.constant 0 : index
    %swap3A_11 = vector.load %arg4[%swap3A, %swap3A_10] : memref<2048x1024xf32, #tpu.memory_space<vmem>>, vector<2048x1024xf32>
    tpu.vector_store %arg4[%swap3A, %swap3A_10], %sub3A_9 {strides = array<i32>} : memref<2048x1024xf32, #tpu.memory_space<vmem>>, vector<2048x1024xf32>,
    return
  }
  func.func @transform_0(%arg0: i32) -> (i32, i32) {
    %c0_i32 = arith.constant 0 : i32
    %c0_i32_0 = arith.constant 0 : i32
    return %c0_i32, %arg0 : i32, i32
  }
  func.func @transform_1(%arg0: i32) -> (i32, i32) {
    %c0_i32 = arith.constant 0 : i32
    %c0_i32_0 = arith.constant 0 : i32
    %c0_i32_1 = arith.constant 0 : i32
    return %c0_i32, %c0_i32_0 : i32, i32
  }
  func.func @transform_2(%arg0: i32) -> (i32, i32) {
    %c0_i32 = arith.constant 0 : i32
    %c0_i32_0 = arith.constant 0 : i32
    %c0_i32_1 = arith.constant 0 : i32
    return %c0_i32, %c0_i32_0 : i32, i32
  }
  func.func @transform_3(%arg0: i32) -> (i32, i32) {
    %c0_i32 = arith.constant 0 : i32
    %c0_i32_0 = arith.constant 0 : i32
    return %arg0, %c0_i32 : i32, i32
  }
}

</mosaic_0001>

<sc_bundles>
// kernel: kernel.5.cloned.1.call-start
scs
__scs_entry_jumppad:
0x0: {  	(pc) =	sbr.rel $0x88, $3  }
0x1: {  	(tag) =	ssettag $0x0;
	lr =	simm.s32 $0x1  }
0x2: {  	[smem:$0x3F9D] =	sst lr;
	_ =	strace $0xD0000000  }
0x3: {  	_ = 	snop  }
0x4: {  	_ = 	snop  }
0x5: {  	_ = 	snop  }
0x6: {  	_ = 	snop  }
0x7: {  	_ = 	snop  }
__scs_overlays_trampoline_lowered:
0x8: {  	[smem:$0x3FAC] =	sst s0  }
0x9: {  	[smem:$0x3FAD] =	sst s1  }
0xa: {  	[smem:$0x3FAE] =	sst s2  }
0xb: {  	[smem:$0x3FAF] =	sst s3  }
0xc: {  	[smem:$0x3FB0] =	sst s4  }
0xd: {  	[smem:$0x3FB1] =	sst s5  }
0xe: {  	[smem:$0x3FB2] =	sst s6  }
0xf: {  	[smem:$0x3FB3] =	sst s7  }
0x10: {  	[smem:$0x3FB4] =	sst s8  }
0x11: {  	[smem:$0x3FB5] =	sst s9;
	s0 =	simm.s32 @!p0 $0x0  }
0x12: {  	s1 =	sld [smem:$0x3F9B];
	s0 =	simm.s32 @p0 $0x1  }
0x13: {  	[smem:$0x3FB6] =	sst s0;
	s0 =	simm.s32 @!p1 $0x0  }
0x14: {  	s2 =	sld [smem:$0x3F9A];
	s0 =	simm.s32 @p1 $0x1  }
0x15: {  	[smem:$0x3FB7] =	sst s0;
	s0 =	simm.s32 @!p2 $0x0  }
0x16: {  	s3 =	sld [smem:$0x3FDB];
	s0 =	simm.s32 @p2 $0x1  }
0x17: {  	s4 =	simm.s32 $0x1BF5;
	[smem:$0x3FB9] =	sst s0  }
0x18: {  	s0 =	sld [smem:$0x3F9C];
	_ =	swait.ge [sflag:s4], $0x0  }
0x19: {  	s7 =	sld [smem:$0x3F9D]  }
0x1a: {  	s8 =	sadd.s32 $0xFFFFE003, lr  }
0x1b: {  	s9 =	sadd.s32 $0xFFFFFEF7, lr;
	s5 =	simm.s32 $0xFFFFFFFF;
	p2 =	slt.u32 s8, $0xFFFFF086  }
0x1c: {  	p1 =	slt.u32 s9, $0xF7A;
	s5 =	simm.s32 @!p2 $0x0  }
0x1d: {  	s5 =	simm.s32 @p1 $0x1;
	p0 =	seq.s32 s7, s2  }
0x1e: {  	s7 =	smul.u32 @!p0 $0xF7A, s2;
	p2 =	seq.s32 @!p0 s5, $0x0  }
0x1f: {  	s9 =	smul.u32 $0xF7A, s1;
	s8 =	simm.s32 @!p0 $0x1BF5;
	p2 =	por !p2, p0  }
0x20: {  	[sflag:s8] =	ssyncset.s32 @!p0 $0xFFFFF086;
	s6 =	sadd.s32 @!p0 s3, s7;
	s7 =	simm.s32 @!p0 $0x108  }
0x21: {  	s3 =	sadd.s32 s3, s9;
	s6 =	sadd.s32 @!p0 $0x88, s6;
	s7 =	simm.s32 @p2 $0x1082  }
0x22: {  	[simem:s7], [sflag:s8] =	dma.local @!p0 [hbm:s6], $0xF7A  }
0x23: {  	s9 =	sor.u32 $0xD0000000, s2;
	s6 =	simm.s32 $0x108;
	_ =	swait.ge @!p0 [sflag:s8], $0x0  }
0x24: {  	s3 =	sadd.s32 $0x88, s3;
	s6 =	simm.s32 @!p1 $0x1082;
	[sflag:s4] =	ssyncset.s32 $0xFFFFF086  }
0x25: {  	[simem:s6], [sflag:s4] =	dma.local [hbm:s3], $0xF7A  }
0x26: {  	[smem:$0x3F9D] =	sst s1;
	(tag) =	ssettag s2;
	_ =	strace s9  }
0x27: {  	s1 =	sld [smem:$0x3FAD]  }
0x28: {  	s2 =	sld [smem:$0x3FAE]  }
0x29: {  	s4 =	sld [smem:$0x3FB0]  }
0x2a: {  	p0 =	seq.s32 s5, $0x0;
	s5 =	sld [smem:$0x3FB1]  }
0x2b: {  	s6 =	sld [smem:$0x3FB2]  }
0x2c: {  	s7 =	sld [smem:$0x3FB3]  }
0x2d: {  	s3 =	simm.s32 $0x108;
	s8 =	sld [smem:$0x3FB4]  }
0x2e: {  	s3 =	simm.s32 @!p0 $0x1082;
	s9 =	sld [smem:$0x3FB5]  }
0x2f: {  	lr =	sadd.s32 s0, s3;
	s0 =	sld [smem:$0x3FAC]  }
0x30: {  	s3 =	sld [smem:$0x3FAF]  }
0x31: {  	[smem:$0x3FB8] =	sst s10  }
0x32: {  	s10 =	sld [smem:$0x3FB6];
	_ =	sdelay $0x3  }
0x33: {  	p0 =	seq.s32 s10, $0x1;
	s10 =	sld [smem:$0x3FB8];
	_ =	sdelay $0x3  }
0x34: {  	[smem:$0x3FB8] =	sst s10  }
0x35: {  	s10 =	sld [smem:$0x3FB7];
	_ =	sdelay $0x3  }
0x36: {  	p1 =	seq.s32 s10, $0x1;
	s10 =	sld [smem:$0x3FB8];
	_ =	sdelay $0x3  }
0x37: {  	[smem:$0x3FB8] =	sst s10  }
0x38: {  	s10 =	sld [smem:$0x3FB9]  }
0x39: {  	_ = 	snop;
	(pc) =	sbr.ind lr, $3  }
0x3a: {  	_ = 	snop  }
0x3b: {  	_ = 	snop  }
0x3c: {  	p2 =	seq.s32 s10, $0x1;
	s10 =	sld [smem:$0x3FB8]  }
0x3d: {  	_ =	shalt  }
0x3e: {  	_ =	shalt  }
0x3f: {  	_ =	shalt  }
0x40: {  	_ =	shalt  }
0x41: {  	_ =	shalt  }
0x42: {  	_ =	shalt  }
0x43: {  	_ =	shalt  }
0x44: {  	_ =	shalt  }
0x45: {  	_ =	shalt  }
0x46: {  	_ =	shalt  }
0x47: {  	_ =	shalt  }
0x48: {  	_ =	shalt  }
0x49: {  	_ =	shalt  }
0x4a: {  	_ =	shalt  }
0x4b: {  	_ =	shalt  }
0x4c: {  	_ =	shalt  }
0x4d: {  	_ =	shalt  }
0x4e: {  	_ =	shalt  }
0x4f: {  	_ =	shalt  }
0x50: {  	_ =	shalt  }
0x51: {  	_ =	shalt  }
0x52: {  	_ =	shalt  }
0x53: {  	_ =	shalt  }
0x54: {  	_ =	shalt  }
0x55: {  	_ =	shalt  }
0x56: {  	_ =	shalt  }
0x57: {  	_ =	shalt  }
0x58: {  	_ =	shalt  }
0x59: {  	_ =	shalt  }
0x5a: {  	_ =	shalt  }
0x5b: {  	_ =	shalt  }
0x5c: {  	_ =	shalt  }
0x5d: {  	_ =	shalt  }
0x5e: {  	_ =	shalt  }
0x5f: {  	_ =	shalt  }
0x60: {  	_ =	shalt  }
0x61: {  	_ =	shalt  }
0x62: {  	_ =	shalt  }
0x63: {  	_ =	shalt  }
0x64: {  	_ =	shalt  }
0x65: {  	_ =	shalt  }
0x66: {  	_ =	shalt  }
0x67: {  	_ =	shalt  }
0x68: {  	_ =	shalt  }
0x69: {  	_ =	shalt  }
0x6a: {  	_ =	shalt  }
0x6b: {  	_ =	shalt  }
0x6c: {  	_ =	shalt  }
0x6d: {  	_ =	shalt  }
0x6e: {  	_ =	shalt  }
0x6f: {  	_ =	shalt  }
0x70: {  	_ =	shalt  }
0x71: {  	_ =	shalt  }
0x72: {  	_ =	shalt  }
0x73: {  	_ =	shalt  }
0x74: {  	_ =	shalt  }
0x75: {  	_ =	shalt  }
0x76: {  	_ =	shalt  }
0x77: {  	_ =	shalt  }
0x78: {  	_ =	shalt  }
0x79: {  	_ =	shalt  }
0x7a: {  	_ =	shalt  }
0x7b: {  	_ =	shalt  }
0x7c: {  	_ =	shalt  }
0x7d: {  	_ =	shalt  }
0x7e: {  	_ =	shalt  }
0x7f: {  	_ =	shalt  }
0x80: {  	_ =	shalt  }
0x81: {  	_ =	shalt  }
0x82: {  	_ =	shalt  }
0x83: {  	_ =	shalt  }
0x84: {  	_ =	shalt  }
0x85: {  	_ =	shalt  }
0x86: {  	_ =	shalt  }
0x87: {  	_ =	shalt  }
.Lfunc_end0:
.L_simem_size_0:
called_computation_lowered:
.L_overlay_start_0:
0x88: {  	s2 =	sld [smem:$0x3FD9]  }
0x89: {  	s3 =	sld [smem:$0x3FFE];
	_ =	sdelay $0x1  }
0x8a: {  	s1 =	srdreg.scid  }
0x8b: {  	s0 =	sand.u32 $0x1, s1  }
0x8c: {  	s17 =	sshll.u32 s0, $0xA;
	s2 =	sadd.s32 s3, s2  }
0x8d: {  	s2 =	sadd.s32 s2, s17  }
0x8e: {  	[smem:$0x3FC4] =	sst s2  }
0x8f: {  	_ = 	snop  }
0x90: {  	s2 =	sld [smem:$0x3FD0];
	(tm) =	ssettm $0x1  }
0x91: {  	s18 =	sld [smem:$0x3FFB];
	_ =	sdelay $0x3  }
0x92: {  	_ =	strace s18  }
0x93: {  	s3 =	sld [smem:$0x3FFC];
	_ =	sdelay $0x3  }
0x94: {  	_ =	strace s3  }
0x95: {  	s3 =	sld [smem:$0x3FFD];
	_ =	sdelay $0x3  }
0x96: {  	_ =	strace s3  }
0x97: {  	_ =	strace $0x8FFFFFFF  }
0x98: {  	s19 =	sld [smem:$0x3FDB];
	_ =	sdelay $0x1  }
0x99: {  	s4 =	simm.s32 $_scs_section_size  }
0x9a: {  	s5 =	simm.s32 $_size__tile_overlayer_lowered;
	s6 =	simm.s32 $_tile_overlayer_lowered  }
0x9b: {  	s22 =	simm.s32 $0x1BFF;
	s21 =	sshll.u32 s6, $0x1;
	s3 =	sadd.s32 s4, s19  }
0x9c: {  	s7 =	simm.s32 $0x0;
	s20 =	sshll.u32 s5, $0x1;
	s5 =	sadd.s32 s21, s3  }
0x9d: {  	[timem:s7], [sflag:s22] =	dma.local [hbm:s5], s20  }
0x9e: {  	_ =	swait.ge [sflag:s22], s20  }
0x9f: {  	s4 =	ssub.s32 $0x0, s20;
	[sflag:s22] =	ssyncset.done $0x0  }
0xa0: {  	[sflag:s22] =	ssyncadd.s32 s4;
	_ =	sdelay $0x1  }
0xa1: {  	s23 =	simm.s32 $0x1B8B  }
0xa2: {  	_ =	swait.ge [sflag:s23], $0x1  }
0xa3: {  	[sflag:s23] =	ssyncset.done $0x0  }
0xa4: {  	s25 =	simm.s32 $0x1B8E;
	s24 =	sld [smem:$0x3FFE];
	[sflag:s23] =	ssyncadd.s32 $0xFFFFFFFF  }
0xa5: {  	s26 =	simm.s32 $execute0_lowered;
	[smem:$0x3FD2] =	sst s25  }
0xa6: {  	s5 =	sshll.u32 s26, $0x1;
	_ =	strace $0x80000046;
	[dreg:$0x1] =	wrdreg $0xFFFFFFFF  }
0xa7: {  	s28 =	simm.s32 $_size_execute0_lowered;
	s3 =	sadd.s32 s3, s5;
	[dreg:$0x0] =	wrdreg $0x0  }
0xa8: {  	s5 =	sshll.u32 s28, $0x1;
	[dreg:$0x2] =	wrdreg s3  }
0xa9: {  	[dreg:$0x3] =	wrdreg s5  }
0xaa: {  	[dreg:$0x4] =	wrdreg $0xC0  }
0xab: {  	_ =	task [dreg:s7], $0x5FFFF  }
0xac: {  	[dreg:$0x1] =	wrdreg $0xFFFFFFFF  }
0xad: {  	[dreg:$0x0] =	wrdreg $0x60  }
0xae: {  	[dreg:$0x2] =	wrdreg s2  }
0xaf: {  	[dreg:$0x3] =	wrdreg s24  }
0xb0: {  	[dreg:$0x4] =	wrdreg $0x9  }
0xb1: {  	_ =	task.clear_ibuf [dreg:s7], $0x5FFFF;
	_ =	strace $0x90000046  }
0xb2: {  	s29 =	simm.s32 $0x9;
	_ =	strace $0x80000048  }
0xb3: {  	_ =	swait.ge [sflag:s29], $0x1  }
0xb4: {  	[sflag:s29] =	ssyncadd.s32 $0xFFFFFFFF  }
0xb5: {  	_ =	strace $0x90000048  }
0xb6: {  	_ =	sfence  }
0xb7: {  	s30 =	sld [smem:$0x0];
	_ =	sdelay $0x2  }
0xb8: {  	s31 =	sshll.u32 s1, $0xD;
	s1 =	sshrl.u32 s1, $0x2  }
0xb9: {  	s3 =	sand.u32 $0x4000, s31;
	s1 =	sadd.s32 s1, s30  }
0xba: {  	s0 =	sor.u32 s3, s0;
	s1 =	sshll.u32 s1, $0x11  }
0xbb: {  	s0 =	sor.u32 s1, s0  }
0xbc: {  	s0 =	sadd.s32 $0x8F2B, s0  }
0xbd: {  	[sflag:s0] =	ssyncadd.remote.s32 $0x1  }
0xbe: {  	_ =	sfence.sel $0xFFFF  }
0xbf: {  	[dreg:$0x0] =	wrdreg $0xFFFFFFFF;
	(pc) =	sbr.abs _section_cstart, $3  }
0xc0: {  	[dreg:$0x1] =	wrdreg $0xFFFFFFFF  }
0xc1: {  	_ =	task.clear_ibuf [dreg:s7], $0x2FFFF;
	_ =	strace $0x9FFFFFFF  }
0xc2: {  	(tm) =	ssettm $0x7FFFFFFF  }
0xc3: {  	_ =	shalt  }
tec
execute0_lowered:
.L_overlay_start_1:
0x0: {  	(tag) =	ssettag $0x1  }
0x1: {  	s2 =	rddreg [dreg:$0x0];
	s3 =	stileid.u32  }
0x2: {  	s14 =	rddreg [dreg:$0x1];
	s4 =	sshll.u32 s3, $0x3;
	s3 =	simm.s32 $0x0  }
0x3: {  	s15 =	simm.s32 $0x220;
	[smem:$0x7FF] =	sst s3  }
0x4: {  	s16 =	simm.s32 $0x40;
	_ =	strace $0x80000047;
	[dreg:$0x5] =	wrdreg s15  }
0x5: {  	s0 =	srdreg.scid;
	s17 =	simm.s32 $0x240;
	[dreg:$0x6] =	wrdreg s16  }
0x6: {  	s18 =	simm.s32 $0x60;
	s1 =	sand.u32 $0x1, s0;
	[dreg:$0x7] =	wrdreg s17  }
0x7: {  	s19 =	simm.s32 $0x260;
	s5 =	sshll.u32 s1, $0x2;
	[dreg:$0x8] =	wrdreg s18  }
0x8: {  	s20 =	simm.s32 $0x80;
	s4 =	sor.u32 s5, s4;
	[dreg:$0x9] =	wrdreg s19  }
0x9: {  	s21 =	simm.s32 $0x280;
	[dreg:$0xa] =	wrdreg s20;
	s0 =	sadd.s32 s4, s14  }
0xa: {  	[dreg:$0xb] =	wrdreg s21;
	s4 =	sadd.s32 $0xE00, s0  }
0xb: {  	s0 =	sadd.s32 $0x1600, s0;
	[dreg:$0x3] =	wrdreg s4  }
0xc: {  	s6 =	simm.s32 $0x400;
	[dreg:$0x4] =	wrdreg s0  }
0xd: {  	s5 =	simm.s32 $0x2;
	s4 =	simm.s32 $0x20;
	s7 =	rddreg [dreg:$0x3]  }
0xe: {  	[tilespmem:s3], [sflag:$0x2] =	stream.strided.gather [hbm4b:s7+s4], $0x200, s6, s4, $0x38;
	[tilespmem:$0x420] =	vst v63  }
0xf: {  	_ =	swait.ge [sflag:s5], $0x200  }
0x10: {  	s22 =	rddreg [dreg:$0xb]  }
0x11: {  	s8 =	rddreg [dreg:$0x6];
	[sflag:s5] =	ssyncset.done $0x0  }
0x12: {  	s7 =	simm.s32 $0x200;
	s9 =	rddreg [dreg:$0x5];
	[sflag:s5] =	ssyncadd.s32 $0xFFFFFE00  }
0x13: {  	[tilespmem:s7], [sflag:$0x1] =	stream.indirect.gather [hbm4b:s2+s4], $0x1, s3, s4, $0xb8;
	[tilespmem:$0x420] =	vst v63  }
0x14: {  	s10 =	rddreg [dreg:$0x7]  }
0x15: {  	[tilespmem:s9], [sflag:$0x1] =	stream.indirect.gather [hbm4b:s2+s4], $0x1, s4, s4, $0xb8;
	[tilespmem:$0x420] =	vst v63  }
0x16: {  	s11 =	rddreg [dreg:$0x9]  }
0x17: {  	[tilespmem:s10], [sflag:$0x1] =	stream.indirect.gather [hbm4b:s2+s4], $0x1, s8, s4, $0xb8;
	[tilespmem:$0x420] =	vst v63  }
0x18: {  	s23 =	rddreg [dreg:$0x8]  }
0x19: {  	[tilespmem:s11], [sflag:$0x1] =	stream.indirect.gather [hbm4b:s2+s4], $0x1, s23, s4, $0xb8;
	[tilespmem:$0x420] =	vst v63  }
0x1a: {  	s24 =	rddreg [dreg:$0xa]  }
0x1b: {  	[tilespmem:s22], [sflag:$0x1] =	stream.indirect.gather [hbm4b:s2+s4], $0x1, s24, s4, $0xb8;
	[tilespmem:$0x420] =	vst v63  }
0x1c: {  	s25 =	simm.s32 $0xA0;
	s26 =	simm.s32 $0x2A0  }
0x1d: {  	[tilespmem:s26], [sflag:$0x1] =	stream.indirect.gather [hbm4b:s2+s4], $0x1, s25, s4, $0xb8;
	[tilespmem:$0x420] =	vst v63  }
0x1e: {  	s9 =	simm.s32 $0xC0;
	s10 =	simm.s32 $0x2C0  }
0x1f: {  	[tilespmem:s10], [sflag:$0x1] =	stream.indirect.gather [hbm4b:s2+s4], $0x1, s9, s4, $0xb8;
	[tilespmem:$0x420] =	vst v63  }
0x20: {  	s12 =	simm.s32 $0xE0;
	s13 =	simm.s32 $0x2E0  }
0x21: {  	[tilespmem:s13], [sflag:$0x1] =	stream.indirect.gather [hbm4b:s2+s4], $0x1, s12, s4, $0xb8;
	[tilespmem:$0x420] =	vst v63  }
0x22: {  	s15 =	simm.s32 $0x300;
	s14 =	simm.s32 $0x100  }
0x23: {  	[tilespmem:s15], [sflag:$0x1] =	stream.indirect.gather [hbm4b:s2+s4], $0x1, s14, s4, $0xb8;
	[tilespmem:$0x420] =	vst v63  }
0x24: {  	s16 =	simm.s32 $0x120;
	s17 =	simm.s32 $0x320  }
0x25: {  	[tilespmem:s17], [sflag:$0x1] =	stream.indirect.gather [hbm4b:s2+s4], $0x1, s16, s4, $0xb8;
	[tilespmem:$0x420] =	vst v63  }
0x26: {  	s18 =	simm.s32 $0x140;
	s19 =	simm.s32 $0x340  }
0x27: {  	[tilespmem:s19], [sflag:$0x1] =	stream.indirect.gather [hbm4b:s2+s4], $0x1, s18, s4, $0xb8;
	[tilespmem:$0x420] =	vst v63  }
0x28: {  	s20 =	simm.s32 $0x160;
	s21 =	simm.s32 $0x360  }
0x29: {  	[tilespmem:s21], [sflag:$0x1] =	stream.indirect.gather [hbm4b:s2+s4], $0x1, s20, s4, $0xb8;
	[tilespmem:$0x420] =	vst v63  }
0x2a: {  	s23 =	simm.s32 $0x380;
	s22 =	simm.s32 $0x180  }
0x2b: {  	[tilespmem:s23], [sflag:$0x1] =	stream.indirect.gather [hbm4b:s2+s4], $0x1, s22, s4, $0xb8;
	[tilespmem:$0x420] =	vst v63  }
0x2c: {  	s24 =	simm.s32 $0x1A0;
	s25 =	simm.s32 $0x3A0  }
0x2d: {  	[tilespmem:s25], [sflag:$0x1] =	stream.indirect.gather [hbm4b:s2+s4], $0x1, s24, s4, $0xb8;
	[tilespmem:$0x420] =	vst v63  }
0x2e: {  	s28 =	simm.s32 $0x3C0;
	s26 =	simm.s32 $0x1C0  }
0x2f: {  	[tilespmem:s28], [sflag:$0x1] =	stream.indirect.gather [hbm4b:s2+s4], $0x1, s26, s4, $0xb8;
	[tilespmem:$0x420] =	vst v63  }
0x30: {  	s29 =	simm.s32 $0x1E0;
	s30 =	simm.s32 $0x3E0  }
0x31: {  	v0 =	vimm.f32 $1.000000000e+00;
	[tilespmem:s30], [sflag:$0x1] =	stream.indirect.gather [hbm4b:s2+s4], $0x1, s29, s4, $0xb8;
	[tilespmem:$0x420] =	vst v63  }
0x32: {  	[tilespmem:$0x400] =	vst v0  }
0x33: {  	s31 =	simm.s32 $0x1;
	[tilespmem:$0x410] =	vst v0  }
0x34: {  	_ =	swait.ge [sflag:s31], $0x20  }
0x35: {  	[sflag:s31] =	ssyncset.done $0x0  }
0x36: {  	[sflag:s31] =	ssyncadd.s32 $0xFFFFFFE0  }
0x37: {  	_ =	swait.ge [sflag:s31], $0x20  }
0x38: {  	[sflag:s31] =	ssyncset.done $0x0  }
0x39: {  	[sflag:s31] =	ssyncadd.s32 $0xFFFFFFE0  }
0x3a: {  	_ =	swait.ge [sflag:s31], $0x20  }
0x3b: {  	[sflag:s31] =	ssyncset.done $0x0  }
0x3c: {  	[sflag:s31] =	ssyncadd.s32 $0xFFFFFFE0  }
0x3d: {  	_ =	swait.ge [sflag:s31], $0x20  }
0x3e: {  	[sflag:s31] =	ssyncset.done $0x0  }
0x3f: {  	[sflag:s31] =	ssyncadd.s32 $0xFFFFFFE0  }
0x40: {  	_ =	swait.ge [sflag:s31], $0x20  }
0x41: {  	[sflag:s31] =	ssyncset.done $0x0  }
0x42: {  	[sflag:s31] =	ssyncadd.s32 $0xFFFFFFE0  }
0x43: {  	_ =	swait.ge [sflag:s31], $0x20  }
0x44: {  	[sflag:s31] =	ssyncset.done $0x0  }
0x45: {  	[sflag:s31] =	ssyncadd.s32 $0xFFFFFFE0  }
0x46: {  	_ =	swait.ge [sflag:s31], $0x20  }
0x47: {  	[sflag:s31] =	ssyncset.done $0x0  }
0x48: {  	[sflag:s31] =	ssyncadd.s32 $0xFFFFFFE0  }
0x49: {  	_ =	swait.ge [sflag:s31], $0x20  }
0x4a: {  	[sflag:s31] =	ssyncset.done $0x0  }
0x4b: {  	[sflag:s31] =	ssyncadd.s32 $0xFFFFFFE0  }
0x4c: {  	_ =	swait.ge [sflag:s31], $0x20  }
0x4d: {  	[sflag:s31] =	ssyncset.done $0x0  }
0x4e: {  	[sflag:s31] =	ssyncadd.s32 $0xFFFFFFE0  }
0x4f: {  	_ =	swait.ge [sflag:s31], $0x20  }
0x50: {  	[sflag:s31] =	ssyncset.done $0x0  }
0x51: {  	[sflag:s31] =	ssyncadd.s32 $0xFFFFFFE0  }
0x52: {  	_ =	swait.ge [sflag:s31], $0x20  }
0x53: {  	[sflag:s31] =	ssyncset.done $0x0  }
0x54: {  	[sflag:s31] =	ssyncadd.s32 $0xFFFFFFE0  }
0x55: {  	_ =	swait.ge [sflag:s31], $0x20  }
0x56: {  	[sflag:s31] =	ssyncset.done $0x0  }
0x57: {  	[sflag:s31] =	ssyncadd.s32 $0xFFFFFFE0  }
0x58: {  	_ =	swait.ge [sflag:s31], $0x20  }
0x59: {  	[sflag:s31] =	ssyncset.done $0x0  }
0x5a: {  	s11 =	ssub.s32 $0x2, s1;
	[sflag:s31] =	ssyncadd.s32 $0xFFFFFFE0  }
0x5b: {  	s1 =	sshrl.u32 s11, $0x1;
	_ =	swait.ge [sflag:s31], $0x20  }
0x5c: {  	s0 =	ssub.s32 s11, s1;
	[sflag:s31] =	ssyncset.done $0x0  }
0x5d: {  	s0 =	smax.u32 s0, $0x1;
	[sflag:s31] =	ssyncadd.s32 $0xFFFFFFE0  }
0x5e: {  	p0 =	sne.s32 s0, $0x1;
	_ =	swait.ge [sflag:s31], $0x20  }
.Ltmp0:
0x5f: {  	[sflag:s31] =	ssyncset.done $0x0;
	(pc) =	sbr.rel @!p0 .LBB2_2-.Ltmp0, $4  }
0x60: {  	[sflag:s31] =	ssyncadd.s32 $0xFFFFFFE0  }
0x61: {  	_ =	swait.ge [sflag:s31], $0x20  }
0x62: {  	[sflag:s31] =	ssyncset.done $0x0  }
0x63: {  	s1 =	sadd.s32 $0xFFFFFFFF, s0;
	s0 =	rddreg [dreg:$0x4];
	[sflag:s31] =	ssyncadd.s32 $0xFFFFFFE0  }
.LBB2_1:
0x64: {  	[hbm4b:s0+s4] =	stream.strided.scatter [tilespmem:s7], [sflag:$0x2], $0x220, s6, s4, $0x38;
	[tilespmem:$0x420] =	vst v63  }
0x65: {  	_ =	swait.ge [sflag:s5], $0x220  }
0x66: {  	[sflag:s5] =	ssyncset.done $0x0  }
0x67: {  	s9 =	rddreg [dreg:$0x3];
	[sflag:s5] =	ssyncadd.s32 $0xFFFFFDE0  }
0x68: {  	[tilespmem:s3], [sflag:$0x2] =	stream.strided.gather [hbm4b:s9+s4], $0x200, s6, s4, $0x38;
	[tilespmem:$0x420] =	vst v63  }
0x69: {  	_ =	swait.ge [sflag:s5], $0x200  }
0x6a: {  	s0 =	rddreg [dreg:$0xb]  }
0x6b: {  	[sflag:s5] =	ssyncset.done $0x0;
	s8 =	rddreg [dreg:$0x6]  }
0x6c: {  	s9 =	rddreg [dreg:$0x5];
	[sflag:s5] =	ssyncadd.s32 $0xFFFFFE00  }
0x6d: {  	[tilespmem:s7], [sflag:$0x1] =	stream.indirect.gather [hbm4b:s2+s4], $0x1, s3, s4, $0xb8;
	[tilespmem:$0x420] =	vst v63  }
0x6e: {  	s10 =	rddreg [dreg:$0x7]  }
0x6f: {  	[tilespmem:s9], [sflag:$0x1] =	stream.indirect.gather [hbm4b:s2+s4], $0x1, s4, s4, $0xb8;
	[tilespmem:$0x420] =	vst v63  }
0x70: {  	s11 =	rddreg [dreg:$0x9]  }
0x71: {  	[tilespmem:s10], [sflag:$0x1] =	stream.indirect.gather [hbm4b:s2+s4], $0x1, s8, s4, $0xb8;
	[tilespmem:$0x420] =	vst v63  }
0x72: {  	s9 =	rddreg [dreg:$0x8]  }
0x73: {  	[tilespmem:s11], [sflag:$0x1] =	stream.indirect.gather [hbm4b:s2+s4], $0x1, s9, s4, $0xb8;
	[tilespmem:$0x420] =	vst v63  }
0x74: {  	s10 =	rddreg [dreg:$0xa]  }
0x75: {  	[tilespmem:s0], [sflag:$0x1] =	stream.indirect.gather [hbm4b:s2+s4], $0x1, s10, s4, $0xb8;
	[tilespmem:$0x420] =	vst v63  }
0x76: {  	s8 =	simm.s32 $0xA0;
	s9 =	simm.s32 $0x2A0  }
0x77: {  	[tilespmem:s9], [sflag:$0x1] =	stream.indirect.gather [hbm4b:s2+s4], $0x1, s8, s4, $0xb8;
	[tilespmem:$0x420] =	vst v63  }
0x78: {  	s11 =	simm.s32 $0x2C0;
	s10 =	simm.s32 $0xC0  }
0x79: {  	[tilespmem:s11], [sflag:$0x1] =	stream.indirect.gather [hbm4b:s2+s4], $0x1, s10, s4, $0xb8;
	[tilespmem:$0x420] =	vst v63  }
0x7a: {  	_ = 	snop  }
0x7b: {  	[tilespmem:s13], [sflag:$0x1] =	stream.indirect.gather [hbm4b:s2+s4], $0x1, s12, s4, $0xb8;
	[tilespmem:$0x420] =	vst v63  }
0x7c: {  	_ = 	snop  }
0x7d: {  	[tilespmem:s15], [sflag:$0x1] =	stream.indirect.gather [hbm4b:s2+s4], $0x1, s14, s4, $0xb8;
	[tilespmem:$0x420] =	vst v63  }
0x7e: {  	_ = 	snop  }
0x7f: {  	[tilespmem:s17], [sflag:$0x1] =	stream.indirect.gather [hbm4b:s2+s4], $0x1, s16, s4, $0xb8;
	[tilespmem:$0x420] =	vst v63  }
0x80: {  	_ = 	snop  }
0x81: {  	[tilespmem:s19], [sflag:$0x1] =	stream.indirect.gather [hbm4b:s2+s4], $0x1, s18, s4, $0xb8;
	[tilespmem:$0x420] =	vst v63  }
0x82: {  	_ = 	snop  }
0x83: {  	[tilespmem:s21], [sflag:$0x1] =	stream.indirect.gather [hbm4b:s2+s4], $0x1, s20, s4, $0xb8;
	[tilespmem:$0x420] =	vst v63  }
0x84: {  	_ = 	snop  }
0x85: {  	[tilespmem:s23], [sflag:$0x1] =	stream.indirect.gather [hbm4b:s2+s4], $0x1, s22, s4, $0xb8;
	[tilespmem:$0x420] =	vst v63  }
0x86: {  	_ = 	snop  }
0x87: {  	[tilespmem:s25], [sflag:$0x1] =	stream.indirect.gather [hbm4b:s2+s4], $0x1, s24, s4, $0xb8;
	[tilespmem:$0x420] =	vst v63  }
0x88: {  	_ = 	snop  }
0x89: {  	[tilespmem:s28], [sflag:$0x1] =	stream.indirect.gather [hbm4b:s2+s4], $0x1, s26, s4, $0xb8;
	[tilespmem:$0x420] =	vst v63  }
0x8a: {  	_ = 	snop  }
0x8b: {  	[tilespmem:s30], [sflag:$0x1] =	stream.indirect.gather [hbm4b:s2+s4], $0x1, s29, s4, $0xb8;
	[tilespmem:$0x420] =	vst v63  }
0x8c: {  	[tilespmem:$0x400] =	vst v0  }
0x8d: {  	[tilespmem:$0x410] =	vst v0  }
0x8e: {  	_ =	swait.ge [sflag:s31], $0x20  }
0x8f: {  	[sflag:s31] =	ssyncset.done $0x0  }
0x90: {  	[sflag:s31] =	ssyncadd.s32 $0xFFFFFFE0  }
0x91: {  	_ =	swait.ge [sflag:s31], $0x20  }
0x92: {  	[sflag:s31] =	ssyncset.done $0x0  }
0x93: {  	[sflag:s31] =	ssyncadd.s32 $0xFFFFFFE0  }
0x94: {  	_ =	swait.ge [sflag:s31], $0x20  }
0x95: {  	[sflag:s31] =	ssyncset.done $0x0  }
0x96: {  	[sflag:s31] =	ssyncadd.s32 $0xFFFFFFE0  }
0x97: {  	_ =	swait.ge [sflag:s31], $0x20  }
0x98: {  	[sflag:s31] =	ssyncset.done $0x0  }
0x99: {  	[sflag:s31] =	ssyncadd.s32 $0xFFFFFFE0  }
0x9a: {  	_ =	swait.ge [sflag:s31], $0x20  }
0x9b: {  	[sflag:s31] =	ssyncset.done $0x0  }
0x9c: {  	[sflag:s31] =	ssyncadd.s32 $0xFFFFFFE0  }
0x9d: {  	_ =	swait.ge [sflag:s31], $0x20  }
0x9e: {  	[sflag:s31] =	ssyncset.done $0x0  }
0x9f: {  	[sflag:s31] =	ssyncadd.s32 $0xFFFFFFE0  }
0xa0: {  	_ =	swait.ge [sflag:s31], $0x20  }
0xa1: {  	[sflag:s31] =	ssyncset.done $0x0  }
0xa2: {  	[sflag:s31] =	ssyncadd.s32 $0xFFFFFFE0  }
0xa3: {  	_ =	swait.ge [sflag:s31], $0x20  }
0xa4: {  	[sflag:s31] =	ssyncset.done $0x0  }
0xa5: {  	[sflag:s31] =	ssyncadd.s32 $0xFFFFFFE0  }
0xa6: {  	_ =	swait.ge [sflag:s31], $0x20  }
0xa7: {  	[sflag:s31] =	ssyncset.done $0x0  }
0xa8: {  	[sflag:s31] =	ssyncadd.s32 $0xFFFFFFE0  }
0xa9: {  	_ =	swait.ge [sflag:s31], $0x20  }
0xaa: {  	[sflag:s31] =	ssyncset.done $0x0  }
0xab: {  	[sflag:s31] =	ssyncadd.s32 $0xFFFFFFE0  }
0xac: {  	_ =	swait.ge [sflag:s31], $0x20  }
0xad: {  	[sflag:s31] =	ssyncset.done $0x0  }
0xae: {  	[sflag:s31] =	ssyncadd.s32 $0xFFFFFFE0  }
0xaf: {  	_ =	swait.ge [sflag:s31], $0x20  }
0xb0: {  	[sflag:s31] =	ssyncset.done $0x0  }
0xb1: {  	[sflag:s31] =	ssyncadd.s32 $0xFFFFFFE0  }
0xb2: {  	_ =	swait.ge [sflag:s31], $0x20  }
0xb3: {  	[sflag:s31] =	ssyncset.done $0x0  }
0xb4: {  	[sflag:s31] =	ssyncadd.s32 $0xFFFFFFE0  }
0xb5: {  	_ =	swait.ge [sflag:s31], $0x20  }
0xb6: {  	[sflag:s31] =	ssyncset.done $0x0  }
0xb7: {  	[sflag:s31] =	ssyncadd.s32 $0xFFFFFFE0  }
0xb8: {  	p0 =	sne.s32 s1, $0x1;
	_ =	swait.ge [sflag:s31], $0x20  }
.Ltmp1:
0xb9: {  	[sflag:s31] =	ssyncset.done $0x0;
	(pc) =	sbr.rel @p0 .LBB2_1-.Ltmp1, $4  }
0xba: {  	[sflag:s31] =	ssyncadd.s32 $0xFFFFFFE0  }
0xbb: {  	_ =	swait.ge [sflag:s31], $0x20  }
0xbc: {  	[sflag:s31] =	ssyncset.done $0x0  }
0xbd: {  	s1 =	sadd.s32 $0xFFFFFFFF, s1;
	s0 =	rddreg [dreg:$0x4];
	[sflag:s31] =	ssyncadd.s32 $0xFFFFFFE0  }
.LBB2_2:
0xbe: {  	[hbm4b:s0+s4] =	stream.strided.scatter [tilespmem:s7], [sflag:$0x2], $0x220, s6, s4, $0x38;
	[tilespmem:$0x420] =	vst v63  }
0xbf: {  	_ =	swait.ge [sflag:s5], $0x220  }
0xc0: {  	[sflag:s5] =	ssyncset.done $0x0  }
0xc1: {  	[sflag:s5] =	ssyncadd.s32 $0xFFFFFDE0  }
0xc2: {  	_ =	sfence.sel $0x180000  }
0xc3: {  	[bflag:$0x0] =	sbarrier.arrive $0xFFFF  }
0xc4: {  	_ =	strace $0x90000047  }
0xc5: {  	s31 =	stileid.u32;
	[bflag:$0x2] =	sbarrier.arrive $0xFFFF  }
0xc6: {  	p0 =	sne.s32 s31, $0x0;
	s0 =	rddreg [dreg:$0x2]  }
0xc7: {  	s0 =	sadd.s32 @!p0 $0x100000, s0  }
0xc8: {  	[sflag:s0] =	ssyncadd.tile.s32 @!p0 $0x1;
	_ =	shalt  }
.Lfunc_end2:
_tile_overlayer_lowered:
.L_overlay_start_2:
0xc9: {  	(tag) =	ssettag $0x2  }
0xca: {  	s0 =	rddreg [dreg:$0x0];
	s2 =	stileid.u32  }
0xcb: {  	s1 =	rddreg [dreg:$0x1];
	p0 =	sne.s32 s2, $0x0  }
0xcc: {  	s3 =	rddreg [dreg:$0x2];
	[bflag:$0x3] =	sbarrier.arrive $0xFFFF;
	s2 =	simm.s32 @!p0 $0x1C02  }
0xcd: {  	[timem:s3], [sflag:s2] =	dma.local @!p0 [hbm:s0], s1  }
0xce: {  	s0 =	simm.s32 @!p0 $0x2  }
0xcf: {  	_ =	swait.ge @!p0 [sflag:s0], s1  }
0xd0: {  	s1 =	ssub.s32 @!p0 $0x0, s1;
	[sflag:s0] =	ssyncset.done @!p0 $0x0  }
0xd1: {  	[sflag:s0] =	ssyncadd.s32 @!p0 s1  }
0xd2: {  	[bflag:$0x3] =	sbarrier.arrive $0xFFFF  }
0xd3: {  	_ =	shalt  }

</sc_bundles>
